<compile_context>
chip_gen: v7x
topology: tpu7x:2x2x1
jax: 0.10.2.dev20260603
libtpu: 0.0.44.dev20260713+nightly
codegen_flags: <defaults>
</compile_context>

<pallas_src>
import functools

import jax
import jax.numpy as jnp
from jax import lax
from jax.experimental import pallas as pl
from jax.experimental.pallas import tpu as pltpu, tpu_sc as plsc

NC = 2
NS = 16
L = 16
NT = NC * NS

B = 16384
D = 64
C = 100000
CP = 100352
ZPT = CP // NS
RPT = B // NT
LPT = B // NS
YROWS = B // 128


def _body(y128, batch_h, centers_h, out_h,
          hist_sh, acc_sh,
          yh, yi, ones, zbuf, ctr, bat, cnt, wbuf, tacc, sbuf,
          sem_ctr, sem_bat, sem_cnt):
    cid = lax.axis_index("c")
    sid = lax.axis_index("s")
    wid = sid * NC + cid

    @pl.loop(0, ZPT // L)
    def _zero(j):
        zbuf[pl.ds(j * L, L)] = jnp.zeros((L,), jnp.float32)

    for k in range(LPT // 128):
        for j in range(128 // L):
            ones[k, pl.ds(j * L, L)] = jnp.ones((L,), jnp.float32)

    pltpu.sync_copy(y128.at[pl.ds(sid * (LPT // 128), LPT // 128)], yh)
    pltpu.sync_copy(y128.at[pl.ds(wid * (RPT // 128), RPT // 128)], yi)
    pltpu.sync_copy(zbuf, hist_sh.at[pl.ds(sid * ZPT, ZPT)])

    plsc.subcore_barrier()

    for k in range(LPT // 128):
        pltpu.sync_copy(ones.at[k], hist_sh.at[yh.at[k]], add=True)

    plsc.subcore_barrier()

    cps = []
    for k in range(RPT // 128):
        cps.append(pltpu.async_copy(
            centers_h.at[yi.at[k]], ctr.at[pl.ds(k * 128, 128)], sem_ctr))
        cps.append(pltpu.async_copy(
            hist_sh.at[yi.at[k]], cnt.at[pl.ds(k * 128, 128)], sem_cnt))
    bp = pltpu.async_copy(batch_h.at[pl.ds(wid * RPT, RPT)], bat, sem_bat)
    for cp in cps:
        cp.wait()
    bp.wait()

    @pl.loop(0, RPT // L)
    def _w(j):
        c16 = cnt[pl.ds(j * L, L)]
        wbuf[pl.ds(j * L, L)] = 1.0 / (1.0 + c16)

    zero16 = jnp.zeros((L,), jnp.float32)

    def row(i, accs):
        a0, a1, a2, a3 = accs
        wv = plsc.load_gather(wbuf, [jnp.full((L,), i, jnp.int32)])
        d0 = bat[i, pl.ds(0 * L, L)] - ctr[i, pl.ds(0 * L, L)]
        d1 = bat[i, pl.ds(1 * L, L)] - ctr[i, pl.ds(1 * L, L)]
        d2 = bat[i, pl.ds(2 * L, L)] - ctr[i, pl.ds(2 * L, L)]
        d3 = bat[i, pl.ds(3 * L, L)] - ctr[i, pl.ds(3 * L, L)]
        return (a0 + wv * d0 * d0, a1 + wv * d1 * d1,
                a2 + wv * d2 * d2, a3 + wv * d3 * d3)

    a0, a1, a2, a3 = lax.fori_loop(
        0, RPT, row, (zero16, zero16, zero16, zero16))
    tacc[...] = (a0 + a1) + (a2 + a3)

    pltpu.sync_copy(tacc, acc_sh.at[sid])
    plsc.subcore_barrier()

    @pl.when(sid == 0)
    def _reduce():
        pltpu.sync_copy(acc_sh, sbuf)
        total = sbuf[0, :]
        for k in range(1, NS):
            total = total + sbuf[k, :]
        tacc[...] = total
        pltpu.sync_copy(tacc, out_h.at[cid])


@jax.jit
def _center_loss(y, batch, centers):
    y128 = y.reshape(YROWS, 128).astype(jnp.int32)
    mesh = plsc.VectorSubcoreMesh(
        core_axis_name="c", subcore_axis_name="s",
        num_cores=NC, num_subcores=NS)
    partials = pl.kernel(
        _body,
        out_type=jax.ShapeDtypeStruct((NC, L), jnp.float32),
        mesh=mesh,
        compiler_params=pltpu.CompilerParams(
            needs_layout_passes=False, use_tc_tiling_on_sc=False),
        scratch_types=[
            pltpu.VMEM_SHARED((CP,), jnp.float32),
            pltpu.VMEM_SHARED((NS, L), jnp.float32),
            pltpu.VMEM((LPT // 128, 128), jnp.int32),
            pltpu.VMEM((RPT // 128, 128), jnp.int32),
            pltpu.VMEM((LPT // 128, 128), jnp.float32),
            pltpu.VMEM((ZPT,), jnp.float32),
            pltpu.VMEM((RPT, D), jnp.float32),
            pltpu.VMEM((RPT, D), jnp.float32),
            pltpu.VMEM((RPT,), jnp.float32),
            pltpu.VMEM((RPT,), jnp.float32),
            pltpu.VMEM((L,), jnp.float32),
            pltpu.VMEM((NS, L), jnp.float32),
            pltpu.SemaphoreType.DMA,
            pltpu.SemaphoreType.DMA,
            pltpu.SemaphoreType.DMA,
        ],
    )(y128, batch, centers)
    return 0.5 * jnp.sum(partials)


def kernel(y, batch, centers):
    return _center_loss(y, batch, centers)

# --- scband reference (transcript-rebuilt; emitter-appended) ---
"""Pipeline reference for scband-center-loss-72353019068994 (READ-ONLY COPY).

The authoritative reference and input builder live on the scoring server;
editing this copy changes nothing except your own understanding.
"""

import jax, jax.numpy as jnp
import numpy as np

NUM_CLASSES = 100000
EMBED = 64
BATCH = 16384


def setup_inputs(seed: int = 0) -> dict:
    key = jax.random.key(seed)
    k1, k2, k3 = jax.random.split(key, 3)
    y = jax.random.randint(k1, (BATCH,), 0, NUM_CLASSES, dtype=jnp.int64 if jax.config.jax_enable_x64 else jnp.int32)
    batch = jax.random.normal(k2, (BATCH, EMBED), dtype=jnp.float32)
    centers = jax.random.normal(k3, (NUM_CLASSES, EMBED), dtype=jnp.float32)
    return {"y": y, "batch": batch, "centers": centers}


def reference(y, batch, centers):
    # torch.histc(y.float(), bins=num_classes, min=0, max=num_classes) on integer-valued
    # labels in [0, num_classes) is equivalent to a bincount of length num_classes.
    hist = jnp.bincount(y, length=NUM_CLASSES).astype(jnp.float32) + 1.0
    # centers_count = hist.index_select(0, y)
    centers_count = jnp.take(hist, y, axis=0)
    batch_size = batch.shape[0]
    embeddings = batch.reshape(batch_size, -1)
    # centers_pred = centers.index_select(0, y)
    centers_pred = jnp.take(centers, y, axis=0)
    diff = embeddings - centers_pred
    loss = 0.5 * jnp.sum(jnp.sum(diff ** 2, axis=1) / centers_count)
    return loss

if __name__ == "__main__":
    import jax
    _d = setup_inputs()
    print(jax.jit(kernel)(*tuple(_d.values())))

</pallas_src>

<mosaic_0001>
#map = affine_map<(d0, d1) -> (0, 0)>
module attributes {stable_mosaic.version = 14 : i64} {
  func.func @_body(%arg0: i32, %arg1: i32, %arg2: memref<128x128xi32, #tpu.memory_space<hbm>>, %arg3: memref<16384x64xf32, #tpu.memory_space<hbm>>, %arg4: memref<100000x64xf32, #tpu.memory_space<hbm>>, %arg5: memref<2x16xf32, #tpu.memory_space<hbm>>, %arg6: memref<100352xf32, #tpu.memory_space<vmem_shared>>, %arg7: memref<16x16xf32, #tpu.memory_space<vmem_shared>>, %arg8: memref<8x128xi32, #tpu.memory_space<vmem>>, %arg9: memref<4x128xi32, #tpu.memory_space<vmem>>, %arg10: memref<8x128xf32, #tpu.memory_space<vmem>>, %arg11: memref<6272xf32, #tpu.memory_space<vmem>>, %arg12: memref<512x64xf32, #tpu.memory_space<vmem>>, %arg13: memref<512x64xf32, #tpu.memory_space<vmem>>, %arg14: memref<512xf32, #tpu.memory_space<vmem>>, %arg15: memref<512xf32, #tpu.memory_space<vmem>>, %arg16: memref<16xf32, #tpu.memory_space<vmem>>, %arg17: memref<16x16xf32, #tpu.memory_space<vmem>>, %arg18: memref<!tpu.dma_semaphore, #tpu.memory_space<semaphore_mem>>, %arg19: memref<!tpu.dma_semaphore, #tpu.memory_space<semaphore_mem>>, %arg20: memref<!tpu.dma_semaphore, #tpu.memory_space<semaphore_mem>>) attributes {dimension_semantics = [#tpu.dimension_semantics<core_parallel>, #tpu.dimension_semantics<subcore_parallel>], iteration_bounds = array<i64: 2, 16>, scalar_prefetch = 0 : i64, scratch_operands = 15 : i64, tpu.core_type = #tpu.core_type<sc_vector_subcore>, window_params = [{transform_indices = #map}, {transform_indices = #map}, {transform_indices = #map}, {transform_indices = #map}]} {
    %mul3A = arith.constant 2 : i32
    %mul3A_0 = arith.muli %arg1, %mul3A : i32
    %add3A = arith.addi %mul3A_0, %arg0 : i32
    %scan3A = arith.constant 0 : i32
    %scan3A_1 = arith.constant 392 : i32
    %scan3A_2 = arith.addi %scan3A, %scan3A_1 : i32
    %scan3A_3 = arith.constant 1 : i32
    scf.for %scan3A_582 = %scan3A to %scan3A_2 step %scan3A_3  : i32 {
      %mul3A_583 = arith.constant 1 : i32
      %mul3A_584 = arith.muli %scan3A_582, %mul3A_583 : i32
      %add3A_585 = arith.constant 0 : i32
      %add3A_586 = arith.addi %add3A_585, %mul3A_584 : i32
      %broadcast_in_dim3A_587 = arith.constant 0.000000e+00 : f32
      %broadcast_in_dim3A_588 = vector.broadcast %broadcast_in_dim3A_587 : f32 to vector<16xf32>
      %mul3A_589 = arith.constant 16 : i32
      %mul3A_590 = arith.muli %add3A_586, %mul3A_589 : i32
      %swap3A_591 = arith.index_cast %mul3A_590 : i32 to index
      %swap3A_592 = tpu.vector_load %arg11[%swap3A_591] {strides = array<i32>} : memref<6272xf32, #tpu.memory_space<vmem>>, vector<16xf32>,
      tpu.vector_store %arg11[%swap3A_591], %broadcast_in_dim3A_588 {strides = array<i32>} : memref<6272xf32, #tpu.memory_space<vmem>>, vector<16xf32>,
    }
    %scan3A_4 = arith.constant 392 : i32
    %broadcast_in_dim3A = arith.constant 1.000000e+00 : f32
    %broadcast_in_dim3A_5 = vector.broadcast %broadcast_in_dim3A : f32 to vector<16xf32>
    %swap3A = arith.constant 0 : i32
    %swap3A_6 = arith.index_cast %swap3A : i32 to index
    %swap3A_7 = arith.constant 0 : index
    %swap3A_8 = tpu.vector_load %arg10[%swap3A_6, %swap3A_7] {strides = array<i32>} : memref<8x128xf32, #tpu.memory_space<vmem>>, vector<16xf32>,
    tpu.vector_store %arg10[%swap3A_6, %swap3A_7], %broadcast_in_dim3A_5 {strides = array<i32>} : memref<8x128xf32, #tpu.memory_space<vmem>>, vector<16xf32>,
    %broadcast_in_dim3A_9 = arith.constant 1.000000e+00 : f32
    %broadcast_in_dim3A_10 = vector.broadcast %broadcast_in_dim3A_9 : f32 to vector<16xf32>
    %swap3A_11 = arith.constant 0 : i32
    %swap3A_12 = arith.index_cast %swap3A_11 : i32 to index
    %swap3A_13 = arith.constant 16 : index
    %swap3A_14 = tpu.vector_load %arg10[%swap3A_12, %swap3A_13] {strides = array<i32>} : memref<8x128xf32, #tpu.memory_space<vmem>>, vector<16xf32>,
    tpu.vector_store %arg10[%swap3A_12, %swap3A_13], %broadcast_in_dim3A_10 {strides = array<i32>} : memref<8x128xf32, #tpu.memory_space<vmem>>, vector<16xf32>,
    %broadcast_in_dim3A_15 = arith.constant 1.000000e+00 : f32
    %broadcast_in_dim3A_16 = vector.broadcast %broadcast_in_dim3A_15 : f32 to vector<16xf32>
    %swap3A_17 = arith.constant 0 : i32
    %swap3A_18 = arith.index_cast %swap3A_17 : i32 to index
    %swap3A_19 = arith.constant 32 : index
    %swap3A_20 = tpu.vector_load %arg10[%swap3A_18, %swap3A_19] {strides = array<i32>} : memref<8x128xf32, #tpu.memory_space<vmem>>, vector<16xf32>,
    tpu.vector_store %arg10[%swap3A_18, %swap3A_19], %broadcast_in_dim3A_16 {strides = array<i32>} : memref<8x128xf32, #tpu.memory_space<vmem>>, vector<16xf32>,
    %broadcast_in_dim3A_21 = arith.constant 1.000000e+00 : f32
    %broadcast_in_dim3A_22 = vector.broadcast %broadcast_in_dim3A_21 : f32 to vector<16xf32>
    %swap3A_23 = arith.constant 0 : i32
    %swap3A_24 = arith.index_cast %swap3A_23 : i32 to index
    %swap3A_25 = arith.constant 48 : index
    %swap3A_26 = tpu.vector_load %arg10[%swap3A_24, %swap3A_25] {strides = array<i32>} : memref<8x128xf32, #tpu.memory_space<vmem>>, vector<16xf32>,
    tpu.vector_store %arg10[%swap3A_24, %swap3A_25], %broadcast_in_dim3A_22 {strides = array<i32>} : memref<8x128xf32, #tpu.memory_space<vmem>>, vector<16xf32>,
    %broadcast_in_dim3A_27 = arith.constant 1.000000e+00 : f32
    %broadcast_in_dim3A_28 = vector.broadcast %broadcast_in_dim3A_27 : f32 to vector<16xf32>
    %swap3A_29 = arith.constant 0 : i32
    %swap3A_30 = arith.index_cast %swap3A_29 : i32 to index
    %swap3A_31 = arith.constant 64 : index
    %swap3A_32 = tpu.vector_load %arg10[%swap3A_30, %swap3A_31] {strides = array<i32>} : memref<8x128xf32, #tpu.memory_space<vmem>>, vector<16xf32>,
    tpu.vector_store %arg10[%swap3A_30, %swap3A_31], %broadcast_in_dim3A_28 {strides = array<i32>} : memref<8x128xf32, #tpu.memory_space<vmem>>, vector<16xf32>,
    %broadcast_in_dim3A_33 = arith.constant 1.000000e+00 : f32
    %broadcast_in_dim3A_34 = vector.broadcast %broadcast_in_dim3A_33 : f32 to vector<16xf32>
    %swap3A_35 = arith.constant 0 : i32
    %swap3A_36 = arith.index_cast %swap3A_35 : i32 to index
    %swap3A_37 = arith.constant 80 : index
    %swap3A_38 = tpu.vector_load %arg10[%swap3A_36, %swap3A_37] {strides = array<i32>} : memref<8x128xf32, #tpu.memory_space<vmem>>, vector<16xf32>,
    tpu.vector_store %arg10[%swap3A_36, %swap3A_37], %broadcast_in_dim3A_34 {strides = array<i32>} : memref<8x128xf32, #tpu.memory_space<vmem>>, vector<16xf32>,
    %broadcast_in_dim3A_39 = arith.constant 1.000000e+00 : f32
    %broadcast_in_dim3A_40 = vector.broadcast %broadcast_in_dim3A_39 : f32 to vector<16xf32>
    %swap3A_41 = arith.constant 0 : i32
    %swap3A_42 = arith.index_cast %swap3A_41 : i32 to index
    %swap3A_43 = arith.constant 96 : index
    %swap3A_44 = tpu.vector_load %arg10[%swap3A_42, %swap3A_43] {strides = array<i32>} : memref<8x128xf32, #tpu.memory_space<vmem>>, vector<16xf32>,
    tpu.vector_store %arg10[%swap3A_42, %swap3A_43], %broadcast_in_dim3A_40 {strides = array<i32>} : memref<8x128xf32, #tpu.memory_space<vmem>>, vector<16xf32>,
    %broadcast_in_dim3A_45 = arith.constant 1.000000e+00 : f32
    %broadcast_in_dim3A_46 = vector.broadcast %broadcast_in_dim3A_45 : f32 to vector<16xf32>
    %swap3A_47 = arith.constant 0 : i32
    %swap3A_48 = arith.index_cast %swap3A_47 : i32 to index
    %swap3A_49 = arith.constant 112 : index
    %swap3A_50 = tpu.vector_load %arg10[%swap3A_48, %swap3A_49] {strides = array<i32>} : memref<8x128xf32, #tpu.memory_space<vmem>>, vector<16xf32>,
    tpu.vector_store %arg10[%swap3A_48, %swap3A_49], %broadcast_in_dim3A_46 {strides = array<i32>} : memref<8x128xf32, #tpu.memory_space<vmem>>, vector<16xf32>,
    %broadcast_in_dim3A_51 = arith.constant 1.000000e+00 : f32
    %broadcast_in_dim3A_52 = vector.broadcast %broadcast_in_dim3A_51 : f32 to vector<16xf32>
    %swap3A_53 = arith.constant 1 : i32
    %swap3A_54 = arith.index_cast %swap3A_53 : i32 to index
    %swap3A_55 = arith.constant 0 : index
    %swap3A_56 = tpu.vector_load %arg10[%swap3A_54, %swap3A_55] {strides = array<i32>} : memref<8x128xf32, #tpu.memory_space<vmem>>, vector<16xf32>,
    tpu.vector_store %arg10[%swap3A_54, %swap3A_55], %broadcast_in_dim3A_52 {strides = array<i32>} : memref<8x128xf32, #tpu.memory_space<vmem>>, vector<16xf32>,
    %broadcast_in_dim3A_57 = arith.constant 1.000000e+00 : f32
    %broadcast_in_dim3A_58 = vector.broadcast %broadcast_in_dim3A_57 : f32 to vector<16xf32>
    %swap3A_59 = arith.constant 1 : i32
    %swap3A_60 = arith.index_cast %swap3A_59 : i32 to index
    %swap3A_61 = arith.constant 16 : index
    %swap3A_62 = tpu.vector_load %arg10[%swap3A_60, %swap3A_61] {strides = array<i32>} : memref<8x128xf32, #tpu.memory_space<vmem>>, vector<16xf32>,
    tpu.vector_store %arg10[%swap3A_60, %swap3A_61], %broadcast_in_dim3A_58 {strides = array<i32>} : memref<8x128xf32, #tpu.memory_space<vmem>>, vector<16xf32>,
    %broadcast_in_dim3A_63 = arith.constant 1.000000e+00 : f32
    %broadcast_in_dim3A_64 = vector.broadcast %broadcast_in_dim3A_63 : f32 to vector<16xf32>
    %swap3A_65 = arith.constant 1 : i32
    %swap3A_66 = arith.index_cast %swap3A_65 : i32 to index
    %swap3A_67 = arith.constant 32 : index
    %swap3A_68 = tpu.vector_load %arg10[%swap3A_66, %swap3A_67] {strides = array<i32>} : memref<8x128xf32, #tpu.memory_space<vmem>>, vector<16xf32>,
    tpu.vector_store %arg10[%swap3A_66, %swap3A_67], %broadcast_in_dim3A_64 {strides = array<i32>} : memref<8x128xf32, #tpu.memory_space<vmem>>, vector<16xf32>,
    %broadcast_in_dim3A_69 = arith.constant 1.000000e+00 : f32
    %broadcast_in_dim3A_70 = vector.broadcast %broadcast_in_dim3A_69 : f32 to vector<16xf32>
    %swap3A_71 = arith.constant 1 : i32
    %swap3A_72 = arith.index_cast %swap3A_71 : i32 to index
    %swap3A_73 = arith.constant 48 : index
    %swap3A_74 = tpu.vector_load %arg10[%swap3A_72, %swap3A_73] {strides = array<i32>} : memref<8x128xf32, #tpu.memory_space<vmem>>, vector<16xf32>,
    tpu.vector_store %arg10[%swap3A_72, %swap3A_73], %broadcast_in_dim3A_70 {strides = array<i32>} : memref<8x128xf32, #tpu.memory_space<vmem>>, vector<16xf32>,
    %broadcast_in_dim3A_75 = arith.constant 1.000000e+00 : f32
    %broadcast_in_dim3A_76 = vector.broadcast %broadcast_in_dim3A_75 : f32 to vector<16xf32>
    %swap3A_77 = arith.constant 1 : i32
    %swap3A_78 = arith.index_cast %swap3A_77 : i32 to index
    %swap3A_79 = arith.constant 64 : index
    %swap3A_80 = tpu.vector_load %arg10[%swap3A_78, %swap3A_79] {strides = array<i32>} : memref<8x128xf32, #tpu.memory_space<vmem>>, vector<16xf32>,
    tpu.vector_store %arg10[%swap3A_78, %swap3A_79], %broadcast_in_dim3A_76 {strides = array<i32>} : memref<8x128xf32, #tpu.memory_space<vmem>>, vector<16xf32>,
    %broadcast_in_dim3A_81 = arith.constant 1.000000e+00 : f32
    %broadcast_in_dim3A_82 = vector.broadcast %broadcast_in_dim3A_81 : f32 to vector<16xf32>
    %swap3A_83 = arith.constant 1 : i32
    %swap3A_84 = arith.index_cast %swap3A_83 : i32 to index
    %swap3A_85 = arith.constant 80 : index
    %swap3A_86 = tpu.vector_load %arg10[%swap3A_84, %swap3A_85] {strides = array<i32>} : memref<8x128xf32, #tpu.memory_space<vmem>>, vector<16xf32>,
    tpu.vector_store %arg10[%swap3A_84, %swap3A_85], %broadcast_in_dim3A_82 {strides = array<i32>} : memref<8x128xf32, #tpu.memory_space<vmem>>, vector<16xf32>,
    %broadcast_in_dim3A_87 = arith.constant 1.000000e+00 : f32
    %broadcast_in_dim3A_88 = vector.broadcast %broadcast_in_dim3A_87 : f32 to vector<16xf32>
    %swap3A_89 = arith.constant 1 : i32
    %swap3A_90 = arith.index_cast %swap3A_89 : i32 to index
    %swap3A_91 = arith.constant 96 : index
    %swap3A_92 = tpu.vector_load %arg10[%swap3A_90, %swap3A_91] {strides = array<i32>} : memref<8x128xf32, #tpu.memory_space<vmem>>, vector<16xf32>,
    tpu.vector_store %arg10[%swap3A_90, %swap3A_91], %broadcast_in_dim3A_88 {strides = array<i32>} : memref<8x128xf32, #tpu.memory_space<vmem>>, vector<16xf32>,
    %broadcast_in_dim3A_93 = arith.constant 1.000000e+00 : f32
    %broadcast_in_dim3A_94 = vector.broadcast %broadcast_in_dim3A_93 : f32 to vector<16xf32>
    %swap3A_95 = arith.constant 1 : i32
    %swap3A_96 = arith.index_cast %swap3A_95 : i32 to index
    %swap3A_97 = arith.constant 112 : index
    %swap3A_98 = tpu.vector_load %arg10[%swap3A_96, %swap3A_97] {strides = array<i32>} : memref<8x128xf32, #tpu.memory_space<vmem>>, vector<16xf32>,
    tpu.vector_store %arg10[%swap3A_96, %swap3A_97], %broadcast_in_dim3A_94 {strides = array<i32>} : memref<8x128xf32, #tpu.memory_space<vmem>>, vector<16xf32>,
    %broadcast_in_dim3A_99 = arith.constant 1.000000e+00 : f32
    %broadcast_in_dim3A_100 = vector.broadcast %broadcast_in_dim3A_99 : f32 to vector<16xf32>
    %swap3A_101 = arith.constant 2 : i32
    %swap3A_102 = arith.index_cast %swap3A_101 : i32 to index
    %swap3A_103 = arith.constant 0 : index
    %swap3A_104 = tpu.vector_load %arg10[%swap3A_102, %swap3A_103] {strides = array<i32>} : memref<8x128xf32, #tpu.memory_space<vmem>>, vector<16xf32>,
    tpu.vector_store %arg10[%swap3A_102, %swap3A_103], %broadcast_in_dim3A_100 {strides = array<i32>} : memref<8x128xf32, #tpu.memory_space<vmem>>, vector<16xf32>,
    %broadcast_in_dim3A_105 = arith.constant 1.000000e+00 : f32
    %broadcast_in_dim3A_106 = vector.broadcast %broadcast_in_dim3A_105 : f32 to vector<16xf32>
    %swap3A_107 = arith.constant 2 : i32
    %swap3A_108 = arith.index_cast %swap3A_107 : i32 to index
    %swap3A_109 = arith.constant 16 : index
    %swap3A_110 = tpu.vector_load %arg10[%swap3A_108, %swap3A_109] {strides = array<i32>} : memref<8x128xf32, #tpu.memory_space<vmem>>, vector<16xf32>,
    tpu.vector_store %arg10[%swap3A_108, %swap3A_109], %broadcast_in_dim3A_106 {strides = array<i32>} : memref<8x128xf32, #tpu.memory_space<vmem>>, vector<16xf32>,
    %broadcast_in_dim3A_111 = arith.constant 1.000000e+00 : f32
    %broadcast_in_dim3A_112 = vector.broadcast %broadcast_in_dim3A_111 : f32 to vector<16xf32>
    %swap3A_113 = arith.constant 2 : i32
    %swap3A_114 = arith.index_cast %swap3A_113 : i32 to index
    %swap3A_115 = arith.constant 32 : index
    %swap3A_116 = tpu.vector_load %arg10[%swap3A_114, %swap3A_115] {strides = array<i32>} : memref<8x128xf32, #tpu.memory_space<vmem>>, vector<16xf32>,
    tpu.vector_store %arg10[%swap3A_114, %swap3A_115], %broadcast_in_dim3A_112 {strides = array<i32>} : memref<8x128xf32, #tpu.memory_space<vmem>>, vector<16xf32>,
    %broadcast_in_dim3A_117 = arith.constant 1.000000e+00 : f32
    %broadcast_in_dim3A_118 = vector.broadcast %broadcast_in_dim3A_117 : f32 to vector<16xf32>
    %swap3A_119 = arith.constant 2 : i32
    %swap3A_120 = arith.index_cast %swap3A_119 : i32 to index
    %swap3A_121 = arith.constant 48 : index
    %swap3A_122 = tpu.vector_load %arg10[%swap3A_120, %swap3A_121] {strides = array<i32>} : memref<8x128xf32, #tpu.memory_space<vmem>>, vector<16xf32>,
    tpu.vector_store %arg10[%swap3A_120, %swap3A_121], %broadcast_in_dim3A_118 {strides = array<i32>} : memref<8x128xf32, #tpu.memory_space<vmem>>, vector<16xf32>,
    %broadcast_in_dim3A_123 = arith.constant 1.000000e+00 : f32
    %broadcast_in_dim3A_124 = vector.broadcast %broadcast_in_dim3A_123 : f32 to vector<16xf32>
    %swap3A_125 = arith.constant 2 : i32
    %swap3A_126 = arith.index_cast %swap3A_125 : i32 to index
    %swap3A_127 = arith.constant 64 : index
    %swap3A_128 = tpu.vector_load %arg10[%swap3A_126, %swap3A_127] {strides = array<i32>} : memref<8x128xf32, #tpu.memory_space<vmem>>, vector<16xf32>,
    tpu.vector_store %arg10[%swap3A_126, %swap3A_127], %broadcast_in_dim3A_124 {strides = array<i32>} : memref<8x128xf32, #tpu.memory_space<vmem>>, vector<16xf32>,
    %broadcast_in_dim3A_129 = arith.constant 1.000000e+00 : f32
    %broadcast_in_dim3A_130 = vector.broadcast %broadcast_in_dim3A_129 : f32 to vector<16xf32>
    %swap3A_131 = arith.constant 2 : i32
    %swap3A_132 = arith.index_cast %swap3A_131 : i32 to index
    %swap3A_133 = arith.constant 80 : index
    %swap3A_134 = tpu.vector_load %arg10[%swap3A_132, %swap3A_133] {strides = array<i32>} : memref<8x128xf32, #tpu.memory_space<vmem>>, vector<16xf32>,
    tpu.vector_store %arg10[%swap3A_132, %swap3A_133], %broadcast_in_dim3A_130 {strides = array<i32>} : memref<8x128xf32, #tpu.memory_space<vmem>>, vector<16xf32>,
    %broadcast_in_dim3A_135 = arith.constant 1.000000e+00 : f32
    %broadcast_in_dim3A_136 = vector.broadcast %broadcast_in_dim3A_135 : f32 to vector<16xf32>
    %swap3A_137 = arith.constant 2 : i32
    %swap3A_138 = arith.index_cast %swap3A_137 : i32 to index
    %swap3A_139 = arith.constant 96 : index
    %swap3A_140 = tpu.vector_load %arg10[%swap3A_138, %swap3A_139] {strides = array<i32>} : memref<8x128xf32, #tpu.memory_space<vmem>>, vector<16xf32>,
    tpu.vector_store %arg10[%swap3A_138, %swap3A_139], %broadcast_in_dim3A_136 {strides = array<i32>} : memref<8x128xf32, #tpu.memory_space<vmem>>, vector<16xf32>,
    %broadcast_in_dim3A_141 = arith.constant 1.000000e+00 : f32
    %broadcast_in_dim3A_142 = vector.broadcast %broadcast_in_dim3A_141 : f32 to vector<16xf32>
    %swap3A_143 = arith.constant 2 : i32
    %swap3A_144 = arith.index_cast %swap3A_143 : i32 to index
    %swap3A_145 = arith.constant 112 : index
    %swap3A_146 = tpu.vector_load %arg10[%swap3A_144, %swap3A_145] {strides = array<i32>} : memref<8x128xf32, #tpu.memory_space<vmem>>, vector<16xf32>,
    tpu.vector_store %arg10[%swap3A_144, %swap3A_145], %broadcast_in_dim3A_142 {strides = array<i32>} : memref<8x128xf32, #tpu.memory_space<vmem>>, vector<16xf32>,
    %broadcast_in_dim3A_147 = arith.constant 1.000000e+00 : f32
    %broadcast_in_dim3A_148 = vector.broadcast %broadcast_in_dim3A_147 : f32 to vector<16xf32>
    %swap3A_149 = arith.constant 3 : i32
    %swap3A_150 = arith.index_cast %swap3A_149 : i32 to index
    %swap3A_151 = arith.constant 0 : index
    %swap3A_152 = tpu.vector_load %arg10[%swap3A_150, %swap3A_151] {strides = array<i32>} : memref<8x128xf32, #tpu.memory_space<vmem>>, vector<16xf32>,
    tpu.vector_store %arg10[%swap3A_150, %swap3A_151], %broadcast_in_dim3A_148 {strides = array<i32>} : memref<8x128xf32, #tpu.memory_space<vmem>>, vector<16xf32>,
    %broadcast_in_dim3A_153 = arith.constant 1.000000e+00 : f32
    %broadcast_in_dim3A_154 = vector.broadcast %broadcast_in_dim3A_153 : f32 to vector<16xf32>
    %swap3A_155 = arith.constant 3 : i32
    %swap3A_156 = arith.index_cast %swap3A_155 : i32 to index
    %swap3A_157 = arith.constant 16 : index
    %swap3A_158 = tpu.vector_load %arg10[%swap3A_156, %swap3A_157] {strides = array<i32>} : memref<8x128xf32, #tpu.memory_space<vmem>>, vector<16xf32>,
    tpu.vector_store %arg10[%swap3A_156, %swap3A_157], %broadcast_in_dim3A_154 {strides = array<i32>} : memref<8x128xf32, #tpu.memory_space<vmem>>, vector<16xf32>,
    %broadcast_in_dim3A_159 = arith.constant 1.000000e+00 : f32
    %broadcast_in_dim3A_160 = vector.broadcast %broadcast_in_dim3A_159 : f32 to vector<16xf32>
    %swap3A_161 = arith.constant 3 : i32
    %swap3A_162 = arith.index_cast %swap3A_161 : i32 to index
    %swap3A_163 = arith.constant 32 : index
    %swap3A_164 = tpu.vector_load %arg10[%swap3A_162, %swap3A_163] {strides = array<i32>} : memref<8x128xf32, #tpu.memory_space<vmem>>, vector<16xf32>,
    tpu.vector_store %arg10[%swap3A_162, %swap3A_163], %broadcast_in_dim3A_160 {strides = array<i32>} : memref<8x128xf32, #tpu.memory_space<vmem>>, vector<16xf32>,
    %broadcast_in_dim3A_165 = arith.constant 1.000000e+00 : f32
    %broadcast_in_dim3A_166 = vector.broadcast %broadcast_in_dim3A_165 : f32 to vector<16xf32>
    %swap3A_167 = arith.constant 3 : i32
    %swap3A_168 = arith.index_cast %swap3A_167 : i32 to index
    %swap3A_169 = arith.constant 48 : index
    %swap3A_170 = tpu.vector_load %arg10[%swap3A_168, %swap3A_169] {strides = array<i32>} : memref<8x128xf32, #tpu.memory_space<vmem>>, vector<16xf32>,
    tpu.vector_store %arg10[%swap3A_168, %swap3A_169], %broadcast_in_dim3A_166 {strides = array<i32>} : memref<8x128xf32, #tpu.memory_space<vmem>>, vector<16xf32>,
    %broadcast_in_dim3A_171 = arith.constant 1.000000e+00 : f32
    %broadcast_in_dim3A_172 = vector.broadcast %broadcast_in_dim3A_171 : f32 to vector<16xf32>
    %swap3A_173 = arith.constant 3 : i32
    %swap3A_174 = arith.index_cast %swap3A_173 : i32 to index
    %swap3A_175 = arith.constant 64 : index
    %swap3A_176 = tpu.vector_load %arg10[%swap3A_174, %swap3A_175] {strides = array<i32>} : memref<8x128xf32, #tpu.memory_space<vmem>>, vector<16xf32>,
    tpu.vector_store %arg10[%swap3A_174, %swap3A_175], %broadcast_in_dim3A_172 {strides = array<i32>} : memref<8x128xf32, #tpu.memory_space<vmem>>, vector<16xf32>,
    %broadcast_in_dim3A_177 = arith.constant 1.000000e+00 : f32
    %broadcast_in_dim3A_178 = vector.broadcast %broadcast_in_dim3A_177 : f32 to vector<16xf32>
    %swap3A_179 = arith.constant 3 : i32
    %swap3A_180 = arith.index_cast %swap3A_179 : i32 to index
    %swap3A_181 = arith.constant 80 : index
    %swap3A_182 = tpu.vector_load %arg10[%swap3A_180, %swap3A_181] {strides = array<i32>} : memref<8x128xf32, #tpu.memory_space<vmem>>, vector<16xf32>,
    tpu.vector_store %arg10[%swap3A_180, %swap3A_181], %broadcast_in_dim3A_178 {strides = array<i32>} : memref<8x128xf32, #tpu.memory_space<vmem>>, vector<16xf32>,
    %broadcast_in_dim3A_183 = arith.constant 1.000000e+00 : f32
    %broadcast_in_dim3A_184 = vector.broadcast %broadcast_in_dim3A_183 : f32 to vector<16xf32>
    %swap3A_185 = arith.constant 3 : i32
    %swap3A_186 = arith.index_cast %swap3A_185 : i32 to index
    %swap3A_187 = arith.constant 96 : index
    %swap3A_188 = tpu.vector_load %arg10[%swap3A_186, %swap3A_187] {strides = array<i32>} : memref<8x128xf32, #tpu.memory_space<vmem>>, vector<16xf32>,
    tpu.vector_store %arg10[%swap3A_186, %swap3A_187], %broadcast_in_dim3A_184 {strides = array<i32>} : memref<8x128xf32, #tpu.memory_space<vmem>>, vector<16xf32>,
    %broadcast_in_dim3A_189 = arith.constant 1.000000e+00 : f32
    %broadcast_in_dim3A_190 = vector.broadcast %broadcast_in_dim3A_189 : f32 to vector<16xf32>
    %swap3A_191 = arith.constant 3 : i32
    %swap3A_192 = arith.index_cast %swap3A_191 : i32 to index
    %swap3A_193 = arith.constant 112 : index
    %swap3A_194 = tpu.vector_load %arg10[%swap3A_192, %swap3A_193] {strides = array<i32>} : memref<8x128xf32, #tpu.memory_space<vmem>>, vector<16xf32>,
    tpu.vector_store %arg10[%swap3A_192, %swap3A_193], %broadcast_in_dim3A_190 {strides = array<i32>} : memref<8x128xf32, #tpu.memory_space<vmem>>, vector<16xf32>,
    %broadcast_in_dim3A_195 = arith.constant 1.000000e+00 : f32
    %broadcast_in_dim3A_196 = vector.broadcast %broadcast_in_dim3A_195 : f32 to vector<16xf32>
    %swap3A_197 = arith.constant 4 : i32
    %swap3A_198 = arith.index_cast %swap3A_197 : i32 to index
    %swap3A_199 = arith.constant 0 : index
    %swap3A_200 = tpu.vector_load %arg10[%swap3A_198, %swap3A_199] {strides = array<i32>} : memref<8x128xf32, #tpu.memory_space<vmem>>, vector<16xf32>,
    tpu.vector_store %arg10[%swap3A_198, %swap3A_199], %broadcast_in_dim3A_196 {strides = array<i32>} : memref<8x128xf32, #tpu.memory_space<vmem>>, vector<16xf32>,
    %broadcast_in_dim3A_201 = arith.constant 1.000000e+00 : f32
    %broadcast_in_dim3A_202 = vector.broadcast %broadcast_in_dim3A_201 : f32 to vector<16xf32>
    %swap3A_203 = arith.constant 4 : i32
    %swap3A_204 = arith.index_cast %swap3A_203 : i32 to index
    %swap3A_205 = arith.constant 16 : index
    %swap3A_206 = tpu.vector_load %arg10[%swap3A_204, %swap3A_205] {strides = array<i32>} : memref<8x128xf32, #tpu.memory_space<vmem>>, vector<16xf32>,
    tpu.vector_store %arg10[%swap3A_204, %swap3A_205], %broadcast_in_dim3A_202 {strides = array<i32>} : memref<8x128xf32, #tpu.memory_space<vmem>>, vector<16xf32>,
    %broadcast_in_dim3A_207 = arith.constant 1.000000e+00 : f32
    %broadcast_in_dim3A_208 = vector.broadcast %broadcast_in_dim3A_207 : f32 to vector<16xf32>
    %swap3A_209 = arith.constant 4 : i32
    %swap3A_210 = arith.index_cast %swap3A_209 : i32 to index
    %swap3A_211 = arith.constant 32 : index
    %swap3A_212 = tpu.vector_load %arg10[%swap3A_210, %swap3A_211] {strides = array<i32>} : memref<8x128xf32, #tpu.memory_space<vmem>>, vector<16xf32>,
    tpu.vector_store %arg10[%swap3A_210, %swap3A_211], %broadcast_in_dim3A_208 {strides = array<i32>} : memref<8x128xf32, #tpu.memory_space<vmem>>, vector<16xf32>,
    %broadcast_in_dim3A_213 = arith.constant 1.000000e+00 : f32
    %broadcast_in_dim3A_214 = vector.broadcast %broadcast_in_dim3A_213 : f32 to vector<16xf32>
    %swap3A_215 = arith.constant 4 : i32
    %swap3A_216 = arith.index_cast %swap3A_215 : i32 to index
    %swap3A_217 = arith.constant 48 : index
    %swap3A_218 = tpu.vector_load %arg10[%swap3A_216, %swap3A_217] {strides = array<i32>} : memref<8x128xf32, #tpu.memory_space<vmem>>, vector<16xf32>,
    tpu.vector_store %arg10[%swap3A_216, %swap3A_217], %broadcast_in_dim3A_214 {strides = array<i32>} : memref<8x128xf32, #tpu.memory_space<vmem>>, vector<16xf32>,
    %broadcast_in_dim3A_219 = arith.constant 1.000000e+00 : f32
    %broadcast_in_dim3A_220 = vector.broadcast %broadcast_in_dim3A_219 : f32 to vector<16xf32>
    %swap3A_221 = arith.constant 4 : i32
    %swap3A_222 = arith.index_cast %swap3A_221 : i32 to index
    %swap3A_223 = arith.constant 64 : index
    %swap3A_224 = tpu.vector_load %arg10[%swap3A_222, %swap3A_223] {strides = array<i32>} : memref<8x128xf32, #tpu.memory_space<vmem>>, vector<16xf32>,
    tpu.vector_store %arg10[%swap3A_222, %swap3A_223], %broadcast_in_dim3A_220 {strides = array<i32>} : memref<8x128xf32, #tpu.memory_space<vmem>>, vector<16xf32>,
    %broadcast_in_dim3A_225 = arith.constant 1.000000e+00 : f32
    %broadcast_in_dim3A_226 = vector.broadcast %broadcast_in_dim3A_225 : f32 to vector<16xf32>
    %swap3A_227 = arith.constant 4 : i32
    %swap3A_228 = arith.index_cast %swap3A_227 : i32 to index
    %swap3A_229 = arith.constant 80 : index
    %swap3A_230 = tpu.vector_load %arg10[%swap3A_228, %swap3A_229] {strides = array<i32>} : memref<8x128xf32, #tpu.memory_space<vmem>>, vector<16xf32>,
    tpu.vector_store %arg10[%swap3A_228, %swap3A_229], %broadcast_in_dim3A_226 {strides = array<i32>} : memref<8x128xf32, #tpu.memory_space<vmem>>, vector<16xf32>,
    %broadcast_in_dim3A_231 = arith.constant 1.000000e+00 : f32
    %broadcast_in_dim3A_232 = vector.broadcast %broadcast_in_dim3A_231 : f32 to vector<16xf32>
    %swap3A_233 = arith.constant 4 : i32
    %swap3A_234 = arith.index_cast %swap3A_233 : i32 to index
    %swap3A_235 = arith.constant 96 : index
    %swap3A_236 = tpu.vector_load %arg10[%swap3A_234, %swap3A_235] {strides = array<i32>} : memref<8x128xf32, #tpu.memory_space<vmem>>, vector<16xf32>,
    tpu.vector_store %arg10[%swap3A_234, %swap3A_235], %broadcast_in_dim3A_232 {strides = array<i32>} : memref<8x128xf32, #tpu.memory_space<vmem>>, vector<16xf32>,
    %broadcast_in_dim3A_237 = arith.constant 1.000000e+00 : f32
    %broadcast_in_dim3A_238 = vector.broadcast %broadcast_in_dim3A_237 : f32 to vector<16xf32>
    %swap3A_239 = arith.constant 4 : i32
    %swap3A_240 = arith.index_cast %swap3A_239 : i32 to index
    %swap3A_241 = arith.constant 112 : index
    %swap3A_242 = tpu.vector_load %arg10[%swap3A_240, %swap3A_241] {strides = array<i32>} : memref<8x128xf32, #tpu.memory_space<vmem>>, vector<16xf32>,
    tpu.vector_store %arg10[%swap3A_240, %swap3A_241], %broadcast_in_dim3A_238 {strides = array<i32>} : memref<8x128xf32, #tpu.memory_space<vmem>>, vector<16xf32>,
    %broadcast_in_dim3A_243 = arith.constant 1.000000e+00 : f32
    %broadcast_in_dim3A_244 = vector.broadcast %broadcast_in_dim3A_243 : f32 to vector<16xf32>
    %swap3A_245 = arith.constant 5 : i32
    %swap3A_246 = arith.index_cast %swap3A_245 : i32 to index
    %swap3A_247 = arith.constant 0 : index
    %swap3A_248 = tpu.vector_load %arg10[%swap3A_246, %swap3A_247] {strides = array<i32>} : memref<8x128xf32, #tpu.memory_space<vmem>>, vector<16xf32>,
    tpu.vector_store %arg10[%swap3A_246, %swap3A_247], %broadcast_in_dim3A_244 {strides = array<i32>} : memref<8x128xf32, #tpu.memory_space<vmem>>, vector<16xf32>,
    %broadcast_in_dim3A_249 = arith.constant 1.000000e+00 : f32
    %broadcast_in_dim3A_250 = vector.broadcast %broadcast_in_dim3A_249 : f32 to vector<16xf32>
    %swap3A_251 = arith.constant 5 : i32
    %swap3A_252 = arith.index_cast %swap3A_251 : i32 to index
    %swap3A_253 = arith.constant 16 : index
    %swap3A_254 = tpu.vector_load %arg10[%swap3A_252, %swap3A_253] {strides = array<i32>} : memref<8x128xf32, #tpu.memory_space<vmem>>, vector<16xf32>,
    tpu.vector_store %arg10[%swap3A_252, %swap3A_253], %broadcast_in_dim3A_250 {strides = array<i32>} : memref<8x128xf32, #tpu.memory_space<vmem>>, vector<16xf32>,
    %broadcast_in_dim3A_255 = arith.constant 1.000000e+00 : f32
    %broadcast_in_dim3A_256 = vector.broadcast %broadcast_in_dim3A_255 : f32 to vector<16xf32>
    %swap3A_257 = arith.constant 5 : i32
    %swap3A_258 = arith.index_cast %swap3A_257 : i32 to index
    %swap3A_259 = arith.constant 32 : index
    %swap3A_260 = tpu.vector_load %arg10[%swap3A_258, %swap3A_259] {strides = array<i32>} : memref<8x128xf32, #tpu.memory_space<vmem>>, vector<16xf32>,
    tpu.vector_store %arg10[%swap3A_258, %swap3A_259], %broadcast_in_dim3A_256 {strides = array<i32>} : memref<8x128xf32, #tpu.memory_space<vmem>>, vector<16xf32>,
    %broadcast_in_dim3A_261 = arith.constant 1.000000e+00 : f32
    %broadcast_in_dim3A_262 = vector.broadcast %broadcast_in_dim3A_261 : f32 to vector<16xf32>
    %swap3A_263 = arith.constant 5 : i32
    %swap3A_264 = arith.index_cast %swap3A_263 : i32 to index
    %swap3A_265 = arith.constant 48 : index
    %swap3A_266 = tpu.vector_load %arg10[%swap3A_264, %swap3A_265] {strides = array<i32>} : memref<8x128xf32, #tpu.memory_space<vmem>>, vector<16xf32>,
    tpu.vector_store %arg10[%swap3A_264, %swap3A_265], %broadcast_in_dim3A_262 {strides = array<i32>} : memref<8x128xf32, #tpu.memory_space<vmem>>, vector<16xf32>,
    %broadcast_in_dim3A_267 = arith.constant 1.000000e+00 : f32
    %broadcast_in_dim3A_268 = vector.broadcast %broadcast_in_dim3A_267 : f32 to vector<16xf32>
    %swap3A_269 = arith.constant 5 : i32
    %swap3A_270 = arith.index_cast %swap3A_269 : i32 to index
    %swap3A_271 = arith.constant 64 : index
    %swap3A_272 = tpu.vector_load %arg10[%swap3A_270, %swap3A_271] {strides = array<i32>} : memref<8x128xf32, #tpu.memory_space<vmem>>, vector<16xf32>,
    tpu.vector_store %arg10[%swap3A_270, %swap3A_271], %broadcast_in_dim3A_268 {strides = array<i32>} : memref<8x128xf32, #tpu.memory_space<vmem>>, vector<16xf32>,
    %broadcast_in_dim3A_273 = arith.constant 1.000000e+00 : f32
    %broadcast_in_dim3A_274 = vector.broadcast %broadcast_in_dim3A_273 : f32 to vector<16xf32>
    %swap3A_275 = arith.constant 5 : i32
    %swap3A_276 = arith.index_cast %swap3A_275 : i32 to index
    %swap3A_277 = arith.constant 80 : index
    %swap3A_278 = tpu.vector_load %arg10[%swap3A_276, %swap3A_277] {strides = array<i32>} : memref<8x128xf32, #tpu.memory_space<vmem>>, vector<16xf32>,
    tpu.vector_store %arg10[%swap3A_276, %swap3A_277], %broadcast_in_dim3A_274 {strides = array<i32>} : memref<8x128xf32, #tpu.memory_space<vmem>>, vector<16xf32>,
    %broadcast_in_dim3A_279 = arith.constant 1.000000e+00 : f32
    %broadcast_in_dim3A_280 = vector.broadcast %broadcast_in_dim3A_279 : f32 to vector<16xf32>
    %swap3A_281 = arith.constant 5 : i32
    %swap3A_282 = arith.index_cast %swap3A_281 : i32 to index
    %swap3A_283 = arith.constant 96 : index
    %swap3A_284 = tpu.vector_load %arg10[%swap3A_282, %swap3A_283] {strides = array<i32>} : memref<8x128xf32, #tpu.memory_space<vmem>>, vector<16xf32>,
    tpu.vector_store %arg10[%swap3A_282, %swap3A_283], %broadcast_in_dim3A_280 {strides = array<i32>} : memref<8x128xf32, #tpu.memory_space<vmem>>, vector<16xf32>,
    %broadcast_in_dim3A_285 = arith.constant 1.000000e+00 : f32
    %broadcast_in_dim3A_286 = vector.broadcast %broadcast_in_dim3A_285 : f32 to vector<16xf32>
    %swap3A_287 = arith.constant 5 : i32
    %swap3A_288 = arith.index_cast %swap3A_287 : i32 to index
    %swap3A_289 = arith.constant 112 : index
    %swap3A_290 = tpu.vector_load %arg10[%swap3A_288, %swap3A_289] {strides = array<i32>} : memref<8x128xf32, #tpu.memory_space<vmem>>, vector<16xf32>,
    tpu.vector_store %arg10[%swap3A_288, %swap3A_289], %broadcast_in_dim3A_286 {strides = array<i32>} : memref<8x128xf32, #tpu.memory_space<vmem>>, vector<16xf32>,
    %broadcast_in_dim3A_291 = arith.constant 1.000000e+00 : f32
    %broadcast_in_dim3A_292 = vector.broadcast %broadcast_in_dim3A_291 : f32 to vector<16xf32>
    %swap3A_293 = arith.constant 6 : i32
    %swap3A_294 = arith.index_cast %swap3A_293 : i32 to index
    %swap3A_295 = arith.constant 0 : index
    %swap3A_296 = tpu.vector_load %arg10[%swap3A_294, %swap3A_295] {strides = array<i32>} : memref<8x128xf32, #tpu.memory_space<vmem>>, vector<16xf32>,
    tpu.vector_store %arg10[%swap3A_294, %swap3A_295], %broadcast_in_dim3A_292 {strides = array<i32>} : memref<8x128xf32, #tpu.memory_space<vmem>>, vector<16xf32>,
    %broadcast_in_dim3A_297 = arith.constant 1.000000e+00 : f32
    %broadcast_in_dim3A_298 = vector.broadcast %broadcast_in_dim3A_297 : f32 to vector<16xf32>
    %swap3A_299 = arith.constant 6 : i32
    %swap3A_300 = arith.index_cast %swap3A_299 : i32 to index
    %swap3A_301 = arith.constant 16 : index
    %swap3A_302 = tpu.vector_load %arg10[%swap3A_300, %swap3A_301] {strides = array<i32>} : memref<8x128xf32, #tpu.memory_space<vmem>>, vector<16xf32>,
    tpu.vector_store %arg10[%swap3A_300, %swap3A_301], %broadcast_in_dim3A_298 {strides = array<i32>} : memref<8x128xf32, #tpu.memory_space<vmem>>, vector<16xf32>,
    %broadcast_in_dim3A_303 = arith.constant 1.000000e+00 : f32
    %broadcast_in_dim3A_304 = vector.broadcast %broadcast_in_dim3A_303 : f32 to vector<16xf32>
    %swap3A_305 = arith.constant 6 : i32
    %swap3A_306 = arith.index_cast %swap3A_305 : i32 to index
    %swap3A_307 = arith.constant 32 : index
    %swap3A_308 = tpu.vector_load %arg10[%swap3A_306, %swap3A_307] {strides = array<i32>} : memref<8x128xf32, #tpu.memory_space<vmem>>, vector<16xf32>,
    tpu.vector_store %arg10[%swap3A_306, %swap3A_307], %broadcast_in_dim3A_304 {strides = array<i32>} : memref<8x128xf32, #tpu.memory_space<vmem>>, vector<16xf32>,
    %broadcast_in_dim3A_309 = arith.constant 1.000000e+00 : f32
    %broadcast_in_dim3A_310 = vector.broadcast %broadcast_in_dim3A_309 : f32 to vector<16xf32>
    %swap3A_311 = arith.constant 6 : i32
    %swap3A_312 = arith.index_cast %swap3A_311 : i32 to index
    %swap3A_313 = arith.constant 48 : index
    %swap3A_314 = tpu.vector_load %arg10[%swap3A_312, %swap3A_313] {strides = array<i32>} : memref<8x128xf32, #tpu.memory_space<vmem>>, vector<16xf32>,
    tpu.vector_store %arg10[%swap3A_312, %swap3A_313], %broadcast_in_dim3A_310 {strides = array<i32>} : memref<8x128xf32, #tpu.memory_space<vmem>>, vector<16xf32>,
    %broadcast_in_dim3A_315 = arith.constant 1.000000e+00 : f32
    %broadcast_in_dim3A_316 = vector.broadcast %broadcast_in_dim3A_315 : f32 to vector<16xf32>
    %swap3A_317 = arith.constant 6 : i32
    %swap3A_318 = arith.index_cast %swap3A_317 : i32 to index
    %swap3A_319 = arith.constant 64 : index
    %swap3A_320 = tpu.vector_load %arg10[%swap3A_318, %swap3A_319] {strides = array<i32>} : memref<8x128xf32, #tpu.memory_space<vmem>>, vector<16xf32>,
    tpu.vector_store %arg10[%swap3A_318, %swap3A_319], %broadcast_in_dim3A_316 {strides = array<i32>} : memref<8x128xf32, #tpu.memory_space<vmem>>, vector<16xf32>,
    %broadcast_in_dim3A_321 = arith.constant 1.000000e+00 : f32
    %broadcast_in_dim3A_322 = vector.broadcast %broadcast_in_dim3A_321 : f32 to vector<16xf32>
    %swap3A_323 = arith.constant 6 : i32
    %swap3A_324 = arith.index_cast %swap3A_323 : i32 to index
    %swap3A_325 = arith.constant 80 : index
    %swap3A_326 = tpu.vector_load %arg10[%swap3A_324, %swap3A_325] {strides = array<i32>} : memref<8x128xf32, #tpu.memory_space<vmem>>, vector<16xf32>,
    tpu.vector_store %arg10[%swap3A_324, %swap3A_325], %broadcast_in_dim3A_322 {strides = array<i32>} : memref<8x128xf32, #tpu.memory_space<vmem>>, vector<16xf32>,
    %broadcast_in_dim3A_327 = arith.constant 1.000000e+00 : f32
    %broadcast_in_dim3A_328 = vector.broadcast %broadcast_in_dim3A_327 : f32 to vector<16xf32>
    %swap3A_329 = arith.constant 6 : i32
    %swap3A_330 = arith.index_cast %swap3A_329 : i32 to index
    %swap3A_331 = arith.constant 96 : index
    %swap3A_332 = tpu.vector_load %arg10[%swap3A_330, %swap3A_331] {strides = array<i32>} : memref<8x128xf32, #tpu.memory_space<vmem>>, vector<16xf32>,
    tpu.vector_store %arg10[%swap3A_330, %swap3A_331], %broadcast_in_dim3A_328 {strides = array<i32>} : memref<8x128xf32, #tpu.memory_space<vmem>>, vector<16xf32>,
    %broadcast_in_dim3A_333 = arith.constant 1.000000e+00 : f32
    %broadcast_in_dim3A_334 = vector.broadcast %broadcast_in_dim3A_333 : f32 to vector<16xf32>
    %swap3A_335 = arith.constant 6 : i32
    %swap3A_336 = arith.index_cast %swap3A_335 : i32 to index
    %swap3A_337 = arith.constant 112 : index
    %swap3A_338 = tpu.vector_load %arg10[%swap3A_336, %swap3A_337] {strides = array<i32>} : memref<8x128xf32, #tpu.memory_space<vmem>>, vector<16xf32>,
    tpu.vector_store %arg10[%swap3A_336, %swap3A_337], %broadcast_in_dim3A_334 {strides = array<i32>} : memref<8x128xf32, #tpu.memory_space<vmem>>, vector<16xf32>,
    %broadcast_in_dim3A_339 = arith.constant 1.000000e+00 : f32
    %broadcast_in_dim3A_340 = vector.broadcast %broadcast_in_dim3A_339 : f32 to vector<16xf32>
    %swap3A_341 = arith.constant 7 : i32
    %swap3A_342 = arith.index_cast %swap3A_341 : i32 to index
    %swap3A_343 = arith.constant 0 : index
    %swap3A_344 = tpu.vector_load %arg10[%swap3A_342, %swap3A_343] {strides = array<i32>} : memref<8x128xf32, #tpu.memory_space<vmem>>, vector<16xf32>,
    tpu.vector_store %arg10[%swap3A_342, %swap3A_343], %broadcast_in_dim3A_340 {strides = array<i32>} : memref<8x128xf32, #tpu.memory_space<vmem>>, vector<16xf32>,
    %broadcast_in_dim3A_345 = arith.constant 1.000000e+00 : f32
    %broadcast_in_dim3A_346 = vector.broadcast %broadcast_in_dim3A_345 : f32 to vector<16xf32>
    %swap3A_347 = arith.constant 7 : i32
    %swap3A_348 = arith.index_cast %swap3A_347 : i32 to index
    %swap3A_349 = arith.constant 16 : index
    %swap3A_350 = tpu.vector_load %arg10[%swap3A_348, %swap3A_349] {strides = array<i32>} : memref<8x128xf32, #tpu.memory_space<vmem>>, vector<16xf32>,
    tpu.vector_store %arg10[%swap3A_348, %swap3A_349], %broadcast_in_dim3A_346 {strides = array<i32>} : memref<8x128xf32, #tpu.memory_space<vmem>>, vector<16xf32>,
    %broadcast_in_dim3A_351 = arith.constant 1.000000e+00 : f32
    %broadcast_in_dim3A_352 = vector.broadcast %broadcast_in_dim3A_351 : f32 to vector<16xf32>
    %swap3A_353 = arith.constant 7 : i32
    %swap3A_354 = arith.index_cast %swap3A_353 : i32 to index
    %swap3A_355 = arith.constant 32 : index
    %swap3A_356 = tpu.vector_load %arg10[%swap3A_354, %swap3A_355] {strides = array<i32>} : memref<8x128xf32, #tpu.memory_space<vmem>>, vector<16xf32>,
    tpu.vector_store %arg10[%swap3A_354, %swap3A_355], %broadcast_in_dim3A_352 {strides = array<i32>} : memref<8x128xf32, #tpu.memory_space<vmem>>, vector<16xf32>,
    %broadcast_in_dim3A_357 = arith.constant 1.000000e+00 : f32
    %broadcast_in_dim3A_358 = vector.broadcast %broadcast_in_dim3A_357 : f32 to vector<16xf32>
    %swap3A_359 = arith.constant 7 : i32
    %swap3A_360 = arith.index_cast %swap3A_359 : i32 to index
    %swap3A_361 = arith.constant 48 : index
    %swap3A_362 = tpu.vector_load %arg10[%swap3A_360, %swap3A_361] {strides = array<i32>} : memref<8x128xf32, #tpu.memory_space<vmem>>, vector<16xf32>,
    tpu.vector_store %arg10[%swap3A_360, %swap3A_361], %broadcast_in_dim3A_358 {strides = array<i32>} : memref<8x128xf32, #tpu.memory_space<vmem>>, vector<16xf32>,
    %broadcast_in_dim3A_363 = arith.constant 1.000000e+00 : f32
    %broadcast_in_dim3A_364 = vector.broadcast %broadcast_in_dim3A_363 : f32 to vector<16xf32>
    %swap3A_365 = arith.constant 7 : i32
    %swap3A_366 = arith.index_cast %swap3A_365 : i32 to index
    %swap3A_367 = arith.constant 64 : index
    %swap3A_368 = tpu.vector_load %arg10[%swap3A_366, %swap3A_367] {strides = array<i32>} : memref<8x128xf32, #tpu.memory_space<vmem>>, vector<16xf32>,
    tpu.vector_store %arg10[%swap3A_366, %swap3A_367], %broadcast_in_dim3A_364 {strides = array<i32>} : memref<8x128xf32, #tpu.memory_space<vmem>>, vector<16xf32>,
    %broadcast_in_dim3A_369 = arith.constant 1.000000e+00 : f32
    %broadcast_in_dim3A_370 = vector.broadcast %broadcast_in_dim3A_369 : f32 to vector<16xf32>
    %swap3A_371 = arith.constant 7 : i32
    %swap3A_372 = arith.index_cast %swap3A_371 : i32 to index
    %swap3A_373 = arith.constant 80 : index
    %swap3A_374 = tpu.vector_load %arg10[%swap3A_372, %swap3A_373] {strides = array<i32>} : memref<8x128xf32, #tpu.memory_space<vmem>>, vector<16xf32>,
    tpu.vector_store %arg10[%swap3A_372, %swap3A_373], %broadcast_in_dim3A_370 {strides = array<i32>} : memref<8x128xf32, #tpu.memory_space<vmem>>, vector<16xf32>,
    %broadcast_in_dim3A_375 = arith.constant 1.000000e+00 : f32
    %broadcast_in_dim3A_376 = vector.broadcast %broadcast_in_dim3A_375 : f32 to vector<16xf32>
    %swap3A_377 = arith.constant 7 : i32
    %swap3A_378 = arith.index_cast %swap3A_377 : i32 to index
    %swap3A_379 = arith.constant 96 : index
    %swap3A_380 = tpu.vector_load %arg10[%swap3A_378, %swap3A_379] {strides = array<i32>} : memref<8x128xf32, #tpu.memory_space<vmem>>, vector<16xf32>,
    tpu.vector_store %arg10[%swap3A_378, %swap3A_379], %broadcast_in_dim3A_376 {strides = array<i32>} : memref<8x128xf32, #tpu.memory_space<vmem>>, vector<16xf32>,
    %broadcast_in_dim3A_381 = arith.constant 1.000000e+00 : f32
    %broadcast_in_dim3A_382 = vector.broadcast %broadcast_in_dim3A_381 : f32 to vector<16xf32>
    %swap3A_383 = arith.constant 7 : i32
    %swap3A_384 = arith.index_cast %swap3A_383 : i32 to index
    %swap3A_385 = arith.constant 112 : index
    %swap3A_386 = tpu.vector_load %arg10[%swap3A_384, %swap3A_385] {strides = array<i32>} : memref<8x128xf32, #tpu.memory_space<vmem>>, vector<16xf32>,
    tpu.vector_store %arg10[%swap3A_384, %swap3A_385], %broadcast_in_dim3A_382 {strides = array<i32>} : memref<8x128xf32, #tpu.memory_space<vmem>>, vector<16xf32>,
    %mul3A_387 = arith.constant 8 : i32
    %mul3A_388 = arith.muli %arg1, %mul3A_387 : i32
    "tpu.region"() ({
      %run_scoped3A_582 = tpu.sem_alloc : memref<!tpu.dma_semaphore, #tpu.memory_space<semaphore_mem>>
      %dma_start3A_583 = arith.constant 0 : i32
      %dma_start3A_584 = tpu.memref_slice %arg2[%mul3A_388, %dma_start3A_583] : memref<128x128xi32, #tpu.memory_space<hbm>> -> memref<8x128xi32, #tpu.memory_space<hbm>>
      %dma_start3A_585 = arith.constant 0 : i32
      %dma_start3A_586 = tpu.memref_slice %arg2[%mul3A_388, %dma_start3A_585] : memref<128x128xi32, #tpu.memory_space<hbm>> -> memref<8x128xi32, #tpu.memory_space<hbm>>
      tpu.enqueue_dma source(%dma_start3A_586 : memref<8x128xi32, #tpu.memory_space<hbm>>) target(%arg8 : memref<8x128xi32, #tpu.memory_space<vmem>>) target_semaphore(%run_scoped3A_582 : memref<!tpu.dma_semaphore, #tpu.memory_space<semaphore_mem>>)
      %dma_wait3A_587 = arith.constant 0 : i32
      %dma_wait3A_588 = tpu.memref_slice %arg2[%mul3A_388, %dma_wait3A_587] : memref<128x128xi32, #tpu.memory_space<hbm>> -> memref<8x128xi32, #tpu.memory_space<hbm>>
      %dma_wait3A_589 = arith.constant 0 : i32
      %dma_wait3A_590 = tpu.memref_slice %arg2[%mul3A_388, %dma_wait3A_589] : memref<128x128xi32, #tpu.memory_space<hbm>> -> memref<8x128xi32, #tpu.memory_space<hbm>>
      tpu.wait_dma2 semaphore(%run_scoped3A_582 : memref<!tpu.dma_semaphore, #tpu.memory_space<semaphore_mem>>) src(%dma_wait3A_590 : memref<8x128xi32, #tpu.memory_space<hbm>>) dst(%arg8 : memref<8x128xi32, #tpu.memory_space<vmem>>)
      tpu.yield
    }) : () -> ()
    %mul3A_389 = arith.constant 4 : i32
    %mul3A_390 = arith.muli %add3A, %mul3A_389 : i32
    "tpu.region"() ({
      %run_scoped3A_582 = tpu.sem_alloc : memref<!tpu.dma_semaphore, #tpu.memory_space<semaphore_mem>>
      %dma_start3A_583 = arith.constant 0 : i32
      %dma_start3A_584 = tpu.memref_slice %arg2[%mul3A_390, %dma_start3A_583] : memref<128x128xi32, #tpu.memory_space<hbm>> -> memref<4x128xi32, #tpu.memory_space<hbm>>
      %dma_start3A_585 = arith.constant 0 : i32
      %dma_start3A_586 = tpu.memref_slice %arg2[%mul3A_390, %dma_start3A_585] : memref<128x128xi32, #tpu.memory_space<hbm>> -> memref<4x128xi32, #tpu.memory_space<hbm>>
      tpu.enqueue_dma source(%dma_start3A_586 : memref<4x128xi32, #tpu.memory_space<hbm>>) target(%arg9 : memref<4x128xi32, #tpu.memory_space<vmem>>) target_semaphore(%run_scoped3A_582 : memref<!tpu.dma_semaphore, #tpu.memory_space<semaphore_mem>>)
      %dma_wait3A_587 = arith.constant 0 : i32
      %dma_wait3A_588 = tpu.memref_slice %arg2[%mul3A_390, %dma_wait3A_587] : memref<128x128xi32, #tpu.memory_space<hbm>> -> memref<4x128xi32, #tpu.memory_space<hbm>>
      %dma_wait3A_589 = arith.constant 0 : i32
      %dma_wait3A_590 = tpu.memref_slice %arg2[%mul3A_390, %dma_wait3A_589] : memref<128x128xi32, #tpu.memory_space<hbm>> -> memref<4x128xi32, #tpu.memory_space<hbm>>
      tpu.wait_dma2 semaphore(%run_scoped3A_582 : memref<!tpu.dma_semaphore, #tpu.memory_space<semaphore_mem>>) src(%dma_wait3A_590 : memref<4x128xi32, #tpu.memory_space<hbm>>) dst(%arg9 : memref<4x128xi32, #tpu.memory_space<vmem>>)
      tpu.yield
    }) : () -> ()
    %mul3A_391 = arith.constant 6272 : i32
    %mul3A_392 = arith.muli %arg1, %mul3A_391 : i32
    "tpu.region"() ({
      %run_scoped3A_582 = tpu.sem_alloc : memref<!tpu.dma_semaphore, #tpu.memory_space<semaphore_mem>>
      %dma_start3A_583 = tpu.memref_slice %arg6[%mul3A_392] : memref<100352xf32, #tpu.memory_space<vmem_shared>> -> memref<6272xf32, #tpu.memory_space<vmem_shared>>
      %dma_start3A_584 = tpu.memref_slice %arg6[%mul3A_392] : memref<100352xf32, #tpu.memory_space<vmem_shared>> -> memref<6272xf32, #tpu.memory_space<vmem_shared>>
      tpu.enqueue_dma source(%arg11 : memref<6272xf32, #tpu.memory_space<vmem>>) target(%dma_start3A_584 : memref<6272xf32, #tpu.memory_space<vmem_shared>>) target_semaphore(%run_scoped3A_582 : memref<!tpu.dma_semaphore, #tpu.memory_space<semaphore_mem>>)
      %dma_wait3A_585 = tpu.memref_slice %arg6[%mul3A_392] : memref<100352xf32, #tpu.memory_space<vmem_shared>> -> memref<6272xf32, #tpu.memory_space<vmem_shared>>
      %dma_wait3A_586 = tpu.memref_slice %arg6[%mul3A_392] : memref<100352xf32, #tpu.memory_space<vmem_shared>> -> memref<6272xf32, #tpu.memory_space<vmem_shared>>
      tpu.wait_dma2 semaphore(%run_scoped3A_582 : memref<!tpu.dma_semaphore, #tpu.memory_space<semaphore_mem>>) src(%arg11 : memref<6272xf32, #tpu.memory_space<vmem>>) dst(%dma_wait3A_586 : memref<6272xf32, #tpu.memory_space<vmem_shared>>)
      tpu.yield
    }) : () -> ()
    %barrier3A = arith.constant 0 : index
    tpu.barrier barrier_id(%barrier3A)
    %run_scoped3A = arith.constant 0 : i32
    %run_scoped3A_393 = arith.constant 0 : i32
    "tpu.region"() ({
      %run_scoped3A_582 = tpu.sem_alloc : memref<!tpu.dma_semaphore, #tpu.memory_space<semaphore_mem>>
      %dma_start3A_583 = arith.constant 0 : i32
      %dma_start3A_584 = tpu.memref_slice %arg10[%run_scoped3A, %dma_start3A_583] : memref<8x128xf32, #tpu.memory_space<vmem>> -> memref<1x128xf32, #tpu.memory_space<vmem>>
      %dma_start3A_585 = tpu.memref_squeeze %dma_start3A_584 : memref<1x128xf32, #tpu.memory_space<vmem>> -> memref<128xf32, #tpu.memory_space<vmem>>
      %dma_start3A_586 = arith.constant 0 : i32
      %dma_start3A_587 = tpu.memref_slice %arg8[%run_scoped3A_393, %dma_start3A_586] : memref<8x128xi32, #tpu.memory_space<vmem>> -> memref<1x128xi32, #tpu.memory_space<vmem>>
      %dma_start3A_588 = tpu.memref_squeeze %dma_start3A_587 : memref<1x128xi32, #tpu.memory_space<vmem>> -> memref<128xi32, #tpu.memory_space<vmem>>
      %dma_start3A_589 = arith.constant 0 : i32
      %dma_start3A_590 = tpu.memref_slice %arg6[%dma_start3A_589] : memref<100352xf32, #tpu.memory_space<vmem_shared>> -> memref<100352xf32, #tpu.memory_space<vmem_shared>>
      tpu.enqueue_indirect_dma source(%dma_start3A_585 : memref<128xf32, #tpu.memory_space<vmem>>) target(%dma_start3A_590 : memref<100352xf32, #tpu.memory_space<vmem_shared>>) offsets(%dma_start3A_588 : memref<128xi32, #tpu.memory_space<vmem>>) semaphore(%run_scoped3A_582 : memref<!tpu.dma_semaphore, #tpu.memory_space<semaphore_mem>>) {add = true}
      %dma_wait3A_591 = arith.constant 0 : i32
      %dma_wait3A_592 = tpu.memref_slice %arg10[%run_scoped3A, %dma_wait3A_591] : memref<8x128xf32, #tpu.memory_space<vmem>> -> memref<1x128xf32, #tpu.memory_space<vmem>>
      %dma_wait3A_593 = tpu.memref_squeeze %dma_wait3A_592 : memref<1x128xf32, #tpu.memory_space<vmem>> -> memref<128xf32, #tpu.memory_space<vmem>>
      %dma_wait3A_594 = arith.constant 0 : i32
      %dma_wait3A_595 = tpu.memref_slice %arg8[%run_scoped3A_393, %dma_wait3A_594] : memref<8x128xi32, #tpu.memory_space<vmem>> -> memref<1x128xi32, #tpu.memory_space<vmem>>
      %dma_wait3A_596 = tpu.memref_squeeze %dma_wait3A_595 : memref<1x128xi32, #tpu.memory_space<vmem>> -> memref<128xi32, #tpu.memory_space<vmem>>
      %dma_wait3A_597 = arith.constant 0 : i32
      %dma_wait3A_598 = tpu.memref_slice %arg6[%dma_wait3A_597] : memref<100352xf32, #tpu.memory_space<vmem_shared>> -> memref<100352xf32, #tpu.memory_space<vmem_shared>>
      tpu.wait_indirect_dma semaphore(%run_scoped3A_582 : memref<!tpu.dma_semaphore, #tpu.memory_space<semaphore_mem>>) src(%dma_wait3A_593 : memref<128xf32, #tpu.memory_space<vmem>>) dst(%dma_wait3A_598 : memref<100352xf32, #tpu.memory_space<vmem_shared>>)
      tpu.yield
    }) : () -> ()
    %run_scoped3A_394 = arith.constant 1 : i32
    %run_scoped3A_395 = arith.constant 1 : i32
    "tpu.region"() ({
      %run_scoped3A_582 = tpu.sem_alloc : memref<!tpu.dma_semaphore, #tpu.memory_space<semaphore_mem>>
      %dma_start3A_583 = arith.constant 0 : i32
      %dma_start3A_584 = tpu.memref_slice %arg10[%run_scoped3A_394, %dma_start3A_583] : memref<8x128xf32, #tpu.memory_space<vmem>> -> memref<1x128xf32, #tpu.memory_space<vmem>>
      %dma_start3A_585 = tpu.memref_squeeze %dma_start3A_584 : memref<1x128xf32, #tpu.memory_space<vmem>> -> memref<128xf32, #tpu.memory_space<vmem>>
      %dma_start3A_586 = arith.constant 0 : i32
      %dma_start3A_587 = tpu.memref_slice %arg8[%run_scoped3A_395, %dma_start3A_586] : memref<8x128xi32, #tpu.memory_space<vmem>> -> memref<1x128xi32, #tpu.memory_space<vmem>>
      %dma_start3A_588 = tpu.memref_squeeze %dma_start3A_587 : memref<1x128xi32, #tpu.memory_space<vmem>> -> memref<128xi32, #tpu.memory_space<vmem>>
      %dma_start3A_589 = arith.constant 0 : i32
      %dma_start3A_590 = tpu.memref_slice %arg6[%dma_start3A_589] : memref<100352xf32, #tpu.memory_space<vmem_shared>> -> memref<100352xf32, #tpu.memory_space<vmem_shared>>
      tpu.enqueue_indirect_dma source(%dma_start3A_585 : memref<128xf32, #tpu.memory_space<vmem>>) target(%dma_start3A_590 : memref<100352xf32, #tpu.memory_space<vmem_shared>>) offsets(%dma_start3A_588 : memref<128xi32, #tpu.memory_space<vmem>>) semaphore(%run_scoped3A_582 : memref<!tpu.dma_semaphore, #tpu.memory_space<semaphore_mem>>) {add = true}
      %dma_wait3A_591 = arith.constant 0 : i32
      %dma_wait3A_592 = tpu.memref_slice %arg10[%run_scoped3A_394, %dma_wait3A_591] : memref<8x128xf32, #tpu.memory_space<vmem>> -> memref<1x128xf32, #tpu.memory_space<vmem>>
      %dma_wait3A_593 = tpu.memref_squeeze %dma_wait3A_592 : memref<1x128xf32, #tpu.memory_space<vmem>> -> memref<128xf32, #tpu.memory_space<vmem>>
      %dma_wait3A_594 = arith.constant 0 : i32
      %dma_wait3A_595 = tpu.memref_slice %arg8[%run_scoped3A_395, %dma_wait3A_594] : memref<8x128xi32, #tpu.memory_space<vmem>> -> memref<1x128xi32, #tpu.memory_space<vmem>>
      %dma_wait3A_596 = tpu.memref_squeeze %dma_wait3A_595 : memref<1x128xi32, #tpu.memory_space<vmem>> -> memref<128xi32, #tpu.memory_space<vmem>>
      %dma_wait3A_597 = arith.constant 0 : i32
      %dma_wait3A_598 = tpu.memref_slice %arg6[%dma_wait3A_597] : memref<100352xf32, #tpu.memory_space<vmem_shared>> -> memref<100352xf32, #tpu.memory_space<vmem_shared>>
      tpu.wait_indirect_dma semaphore(%run_scoped3A_582 : memref<!tpu.dma_semaphore, #tpu.memory_space<semaphore_mem>>) src(%dma_wait3A_593 : memref<128xf32, #tpu.memory_space<vmem>>) dst(%dma_wait3A_598 : memref<100352xf32, #tpu.memory_space<vmem_shared>>)
      tpu.yield
    }) : () -> ()
    %run_scoped3A_396 = arith.constant 2 : i32
    %run_scoped3A_397 = arith.constant 2 : i32
    "tpu.region"() ({
      %run_scoped3A_582 = tpu.sem_alloc : memref<!tpu.dma_semaphore, #tpu.memory_space<semaphore_mem>>
      %dma_start3A_583 = arith.constant 0 : i32
      %dma_start3A_584 = tpu.memref_slice %arg10[%run_scoped3A_396, %dma_start3A_583] : memref<8x128xf32, #tpu.memory_space<vmem>> -> memref<1x128xf32, #tpu.memory_space<vmem>>
      %dma_start3A_585 = tpu.memref_squeeze %dma_start3A_584 : memref<1x128xf32, #tpu.memory_space<vmem>> -> memref<128xf32, #tpu.memory_space<vmem>>
      %dma_start3A_586 = arith.constant 0 : i32
      %dma_start3A_587 = tpu.memref_slice %arg8[%run_scoped3A_397, %dma_start3A_586] : memref<8x128xi32, #tpu.memory_space<vmem>> -> memref<1x128xi32, #tpu.memory_space<vmem>>
      %dma_start3A_588 = tpu.memref_squeeze %dma_start3A_587 : memref<1x128xi32, #tpu.memory_space<vmem>> -> memref<128xi32, #tpu.memory_space<vmem>>
      %dma_start3A_589 = arith.constant 0 : i32
      %dma_start3A_590 = tpu.memref_slice %arg6[%dma_start3A_589] : memref<100352xf32, #tpu.memory_space<vmem_shared>> -> memref<100352xf32, #tpu.memory_space<vmem_shared>>
      tpu.enqueue_indirect_dma source(%dma_start3A_585 : memref<128xf32, #tpu.memory_space<vmem>>) target(%dma_start3A_590 : memref<100352xf32, #tpu.memory_space<vmem_shared>>) offsets(%dma_start3A_588 : memref<128xi32, #tpu.memory_space<vmem>>) semaphore(%run_scoped3A_582 : memref<!tpu.dma_semaphore, #tpu.memory_space<semaphore_mem>>) {add = true}
      %dma_wait3A_591 = arith.constant 0 : i32
      %dma_wait3A_592 = tpu.memref_slice %arg10[%run_scoped3A_396, %dma_wait3A_591] : memref<8x128xf32, #tpu.memory_space<vmem>> -> memref<1x128xf32, #tpu.memory_space<vmem>>
      %dma_wait3A_593 = tpu.memref_squeeze %dma_wait3A_592 : memref<1x128xf32, #tpu.memory_space<vmem>> -> memref<128xf32, #tpu.memory_space<vmem>>
      %dma_wait3A_594 = arith.constant 0 : i32
      %dma_wait3A_595 = tpu.memref_slice %arg8[%run_scoped3A_397, %dma_wait3A_594] : memref<8x128xi32, #tpu.memory_space<vmem>> -> memref<1x128xi32, #tpu.memory_space<vmem>>
      %dma_wait3A_596 = tpu.memref_squeeze %dma_wait3A_595 : memref<1x128xi32, #tpu.memory_space<vmem>> -> memref<128xi32, #tpu.memory_space<vmem>>
      %dma_wait3A_597 = arith.constant 0 : i32
      %dma_wait3A_598 = tpu.memref_slice %arg6[%dma_wait3A_597] : memref<100352xf32, #tpu.memory_space<vmem_shared>> -> memref<100352xf32, #tpu.memory_space<vmem_shared>>
      tpu.wait_indirect_dma semaphore(%run_scoped3A_582 : memref<!tpu.dma_semaphore, #tpu.memory_space<semaphore_mem>>) src(%dma_wait3A_593 : memref<128xf32, #tpu.memory_space<vmem>>) dst(%dma_wait3A_598 : memref<100352xf32, #tpu.memory_space<vmem_shared>>)
      tpu.yield
    }) : () -> ()
    %run_scoped3A_398 = arith.constant 3 : i32
    %run_scoped3A_399 = arith.constant 3 : i32
    "tpu.region"() ({
      %run_scoped3A_582 = tpu.sem_alloc : memref<!tpu.dma_semaphore, #tpu.memory_space<semaphore_mem>>
      %dma_start3A_583 = arith.constant 0 : i32
      %dma_start3A_584 = tpu.memref_slice %arg10[%run_scoped3A_398, %dma_start3A_583] : memref<8x128xf32, #tpu.memory_space<vmem>> -> memref<1x128xf32, #tpu.memory_space<vmem>>
      %dma_start3A_585 = tpu.memref_squeeze %dma_start3A_584 : memref<1x128xf32, #tpu.memory_space<vmem>> -> memref<128xf32, #tpu.memory_space<vmem>>
      %dma_start3A_586 = arith.constant 0 : i32
      %dma_start3A_587 = tpu.memref_slice %arg8[%run_scoped3A_399, %dma_start3A_586] : memref<8x128xi32, #tpu.memory_space<vmem>> -> memref<1x128xi32, #tpu.memory_space<vmem>>
      %dma_start3A_588 = tpu.memref_squeeze %dma_start3A_587 : memref<1x128xi32, #tpu.memory_space<vmem>> -> memref<128xi32, #tpu.memory_space<vmem>>
      %dma_start3A_589 = arith.constant 0 : i32
      %dma_start3A_590 = tpu.memref_slice %arg6[%dma_start3A_589] : memref<100352xf32, #tpu.memory_space<vmem_shared>> -> memref<100352xf32, #tpu.memory_space<vmem_shared>>
      tpu.enqueue_indirect_dma source(%dma_start3A_585 : memref<128xf32, #tpu.memory_space<vmem>>) target(%dma_start3A_590 : memref<100352xf32, #tpu.memory_space<vmem_shared>>) offsets(%dma_start3A_588 : memref<128xi32, #tpu.memory_space<vmem>>) semaphore(%run_scoped3A_582 : memref<!tpu.dma_semaphore, #tpu.memory_space<semaphore_mem>>) {add = true}
      %dma_wait3A_591 = arith.constant 0 : i32
      %dma_wait3A_592 = tpu.memref_slice %arg10[%run_scoped3A_398, %dma_wait3A_591] : memref<8x128xf32, #tpu.memory_space<vmem>> -> memref<1x128xf32, #tpu.memory_space<vmem>>
      %dma_wait3A_593 = tpu.memref_squeeze %dma_wait3A_592 : memref<1x128xf32, #tpu.memory_space<vmem>> -> memref<128xf32, #tpu.memory_space<vmem>>
      %dma_wait3A_594 = arith.constant 0 : i32
      %dma_wait3A_595 = tpu.memref_slice %arg8[%run_scoped3A_399, %dma_wait3A_594] : memref<8x128xi32, #tpu.memory_space<vmem>> -> memref<1x128xi32, #tpu.memory_space<vmem>>
      %dma_wait3A_596 = tpu.memref_squeeze %dma_wait3A_595 : memref<1x128xi32, #tpu.memory_space<vmem>> -> memref<128xi32, #tpu.memory_space<vmem>>
      %dma_wait3A_597 = arith.constant 0 : i32
      %dma_wait3A_598 = tpu.memref_slice %arg6[%dma_wait3A_597] : memref<100352xf32, #tpu.memory_space<vmem_shared>> -> memref<100352xf32, #tpu.memory_space<vmem_shared>>
      tpu.wait_indirect_dma semaphore(%run_scoped3A_582 : memref<!tpu.dma_semaphore, #tpu.memory_space<semaphore_mem>>) src(%dma_wait3A_593 : memref<128xf32, #tpu.memory_space<vmem>>) dst(%dma_wait3A_598 : memref<100352xf32, #tpu.memory_space<vmem_shared>>)
      tpu.yield
    }) : () -> ()
    %run_scoped3A_400 = arith.constant 4 : i32
    %run_scoped3A_401 = arith.constant 4 : i32
    "tpu.region"() ({
      %run_scoped3A_582 = tpu.sem_alloc : memref<!tpu.dma_semaphore, #tpu.memory_space<semaphore_mem>>
      %dma_start3A_583 = arith.constant 0 : i32
      %dma_start3A_584 = tpu.memref_slice %arg10[%run_scoped3A_400, %dma_start3A_583] : memref<8x128xf32, #tpu.memory_space<vmem>> -> memref<1x128xf32, #tpu.memory_space<vmem>>
      %dma_start3A_585 = tpu.memref_squeeze %dma_start3A_584 : memref<1x128xf32, #tpu.memory_space<vmem>> -> memref<128xf32, #tpu.memory_space<vmem>>
      %dma_start3A_586 = arith.constant 0 : i32
      %dma_start3A_587 = tpu.memref_slice %arg8[%run_scoped3A_401, %dma_start3A_586] : memref<8x128xi32, #tpu.memory_space<vmem>> -> memref<1x128xi32, #tpu.memory_space<vmem>>
      %dma_start3A_588 = tpu.memref_squeeze %dma_start3A_587 : memref<1x128xi32, #tpu.memory_space<vmem>> -> memref<128xi32, #tpu.memory_space<vmem>>
      %dma_start3A_589 = arith.constant 0 : i32
      %dma_start3A_590 = tpu.memref_slice %arg6[%dma_start3A_589] : memref<100352xf32, #tpu.memory_space<vmem_shared>> -> memref<100352xf32, #tpu.memory_space<vmem_shared>>
      tpu.enqueue_indirect_dma source(%dma_start3A_585 : memref<128xf32, #tpu.memory_space<vmem>>) target(%dma_start3A_590 : memref<100352xf32, #tpu.memory_space<vmem_shared>>) offsets(%dma_start3A_588 : memref<128xi32, #tpu.memory_space<vmem>>) semaphore(%run_scoped3A_582 : memref<!tpu.dma_semaphore, #tpu.memory_space<semaphore_mem>>) {add = true}
      %dma_wait3A_591 = arith.constant 0 : i32
      %dma_wait3A_592 = tpu.memref_slice %arg10[%run_scoped3A_400, %dma_wait3A_591] : memref<8x128xf32, #tpu.memory_space<vmem>> -> memref<1x128xf32, #tpu.memory_space<vmem>>
      %dma_wait3A_593 = tpu.memref_squeeze %dma_wait3A_592 : memref<1x128xf32, #tpu.memory_space<vmem>> -> memref<128xf32, #tpu.memory_space<vmem>>
      %dma_wait3A_594 = arith.constant 0 : i32
      %dma_wait3A_595 = tpu.memref_slice %arg8[%run_scoped3A_401, %dma_wait3A_594] : memref<8x128xi32, #tpu.memory_space<vmem>> -> memref<1x128xi32, #tpu.memory_space<vmem>>
      %dma_wait3A_596 = tpu.memref_squeeze %dma_wait3A_595 : memref<1x128xi32, #tpu.memory_space<vmem>> -> memref<128xi32, #tpu.memory_space<vmem>>
      %dma_wait3A_597 = arith.constant 0 : i32
      %dma_wait3A_598 = tpu.memref_slice %arg6[%dma_wait3A_597] : memref<100352xf32, #tpu.memory_space<vmem_shared>> -> memref<100352xf32, #tpu.memory_space<vmem_shared>>
      tpu.wait_indirect_dma semaphore(%run_scoped3A_582 : memref<!tpu.dma_semaphore, #tpu.memory_space<semaphore_mem>>) src(%dma_wait3A_593 : memref<128xf32, #tpu.memory_space<vmem>>) dst(%dma_wait3A_598 : memref<100352xf32, #tpu.memory_space<vmem_shared>>)
      tpu.yield
    }) : () -> ()
    %run_scoped3A_402 = arith.constant 5 : i32
    %run_scoped3A_403 = arith.constant 5 : i32
    "tpu.region"() ({
      %run_scoped3A_582 = tpu.sem_alloc : memref<!tpu.dma_semaphore, #tpu.memory_space<semaphore_mem>>
      %dma_start3A_583 = arith.constant 0 : i32
      %dma_start3A_584 = tpu.memref_slice %arg10[%run_scoped3A_402, %dma_start3A_583] : memref<8x128xf32, #tpu.memory_space<vmem>> -> memref<1x128xf32, #tpu.memory_space<vmem>>
      %dma_start3A_585 = tpu.memref_squeeze %dma_start3A_584 : memref<1x128xf32, #tpu.memory_space<vmem>> -> memref<128xf32, #tpu.memory_space<vmem>>
      %dma_start3A_586 = arith.constant 0 : i32
      %dma_start3A_587 = tpu.memref_slice %arg8[%run_scoped3A_403, %dma_start3A_586] : memref<8x128xi32, #tpu.memory_space<vmem>> -> memref<1x128xi32, #tpu.memory_space<vmem>>
      %dma_start3A_588 = tpu.memref_squeeze %dma_start3A_587 : memref<1x128xi32, #tpu.memory_space<vmem>> -> memref<128xi32, #tpu.memory_space<vmem>>
      %dma_start3A_589 = arith.constant 0 : i32
      %dma_start3A_590 = tpu.memref_slice %arg6[%dma_start3A_589] : memref<100352xf32, #tpu.memory_space<vmem_shared>> -> memref<100352xf32, #tpu.memory_space<vmem_shared>>
      tpu.enqueue_indirect_dma source(%dma_start3A_585 : memref<128xf32, #tpu.memory_space<vmem>>) target(%dma_start3A_590 : memref<100352xf32, #tpu.memory_space<vmem_shared>>) offsets(%dma_start3A_588 : memref<128xi32, #tpu.memory_space<vmem>>) semaphore(%run_scoped3A_582 : memref<!tpu.dma_semaphore, #tpu.memory_space<semaphore_mem>>) {add = true}
      %dma_wait3A_591 = arith.constant 0 : i32
      %dma_wait3A_592 = tpu.memref_slice %arg10[%run_scoped3A_402, %dma_wait3A_591] : memref<8x128xf32, #tpu.memory_space<vmem>> -> memref<1x128xf32, #tpu.memory_space<vmem>>
      %dma_wait3A_593 = tpu.memref_squeeze %dma_wait3A_592 : memref<1x128xf32, #tpu.memory_space<vmem>> -> memref<128xf32, #tpu.memory_space<vmem>>
      %dma_wait3A_594 = arith.constant 0 : i32
      %dma_wait3A_595 = tpu.memref_slice %arg8[%run_scoped3A_403, %dma_wait3A_594] : memref<8x128xi32, #tpu.memory_space<vmem>> -> memref<1x128xi32, #tpu.memory_space<vmem>>
      %dma_wait3A_596 = tpu.memref_squeeze %dma_wait3A_595 : memref<1x128xi32, #tpu.memory_space<vmem>> -> memref<128xi32, #tpu.memory_space<vmem>>
      %dma_wait3A_597 = arith.constant 0 : i32
      %dma_wait3A_598 = tpu.memref_slice %arg6[%dma_wait3A_597] : memref<100352xf32, #tpu.memory_space<vmem_shared>> -> memref<100352xf32, #tpu.memory_space<vmem_shared>>
      tpu.wait_indirect_dma semaphore(%run_scoped3A_582 : memref<!tpu.dma_semaphore, #tpu.memory_space<semaphore_mem>>) src(%dma_wait3A_593 : memref<128xf32, #tpu.memory_space<vmem>>) dst(%dma_wait3A_598 : memref<100352xf32, #tpu.memory_space<vmem_shared>>)
      tpu.yield
    }) : () -> ()
    %run_scoped3A_404 = arith.constant 6 : i32
    %run_scoped3A_405 = arith.constant 6 : i32
    "tpu.region"() ({
      %run_scoped3A_582 = tpu.sem_alloc : memref<!tpu.dma_semaphore, #tpu.memory_space<semaphore_mem>>
      %dma_start3A_583 = arith.constant 0 : i32
      %dma_start3A_584 = tpu.memref_slice %arg10[%run_scoped3A_404, %dma_start3A_583] : memref<8x128xf32, #tpu.memory_space<vmem>> -> memref<1x128xf32, #tpu.memory_space<vmem>>
      %dma_start3A_585 = tpu.memref_squeeze %dma_start3A_584 : memref<1x128xf32, #tpu.memory_space<vmem>> -> memref<128xf32, #tpu.memory_space<vmem>>
      %dma_start3A_586 = arith.constant 0 : i32
      %dma_start3A_587 = tpu.memref_slice %arg8[%run_scoped3A_405, %dma_start3A_586] : memref<8x128xi32, #tpu.memory_space<vmem>> -> memref<1x128xi32, #tpu.memory_space<vmem>>
      %dma_start3A_588 = tpu.memref_squeeze %dma_start3A_587 : memref<1x128xi32, #tpu.memory_space<vmem>> -> memref<128xi32, #tpu.memory_space<vmem>>
      %dma_start3A_589 = arith.constant 0 : i32
      %dma_start3A_590 = tpu.memref_slice %arg6[%dma_start3A_589] : memref<100352xf32, #tpu.memory_space<vmem_shared>> -> memref<100352xf32, #tpu.memory_space<vmem_shared>>
      tpu.enqueue_indirect_dma source(%dma_start3A_585 : memref<128xf32, #tpu.memory_space<vmem>>) target(%dma_start3A_590 : memref<100352xf32, #tpu.memory_space<vmem_shared>>) offsets(%dma_start3A_588 : memref<128xi32, #tpu.memory_space<vmem>>) semaphore(%run_scoped3A_582 : memref<!tpu.dma_semaphore, #tpu.memory_space<semaphore_mem>>) {add = true}
      %dma_wait3A_591 = arith.constant 0 : i32
      %dma_wait3A_592 = tpu.memref_slice %arg10[%run_scoped3A_404, %dma_wait3A_591] : memref<8x128xf32, #tpu.memory_space<vmem>> -> memref<1x128xf32, #tpu.memory_space<vmem>>
      %dma_wait3A_593 = tpu.memref_squeeze %dma_wait3A_592 : memref<1x128xf32, #tpu.memory_space<vmem>> -> memref<128xf32, #tpu.memory_space<vmem>>
      %dma_wait3A_594 = arith.constant 0 : i32
      %dma_wait3A_595 = tpu.memref_slice %arg8[%run_scoped3A_405, %dma_wait3A_594] : memref<8x128xi32, #tpu.memory_space<vmem>> -> memref<1x128xi32, #tpu.memory_space<vmem>>
      %dma_wait3A_596 = tpu.memref_squeeze %dma_wait3A_595 : memref<1x128xi32, #tpu.memory_space<vmem>> -> memref<128xi32, #tpu.memory_space<vmem>>
      %dma_wait3A_597 = arith.constant 0 : i32
      %dma_wait3A_598 = tpu.memref_slice %arg6[%dma_wait3A_597] : memref<100352xf32, #tpu.memory_space<vmem_shared>> -> memref<100352xf32, #tpu.memory_space<vmem_shared>>
      tpu.wait_indirect_dma semaphore(%run_scoped3A_582 : memref<!tpu.dma_semaphore, #tpu.memory_space<semaphore_mem>>) src(%dma_wait3A_593 : memref<128xf32, #tpu.memory_space<vmem>>) dst(%dma_wait3A_598 : memref<100352xf32, #tpu.memory_space<vmem_shared>>)
      tpu.yield
    }) : () -> ()
    %run_scoped3A_406 = arith.constant 7 : i32
    %run_scoped3A_407 = arith.constant 7 : i32
    "tpu.region"() ({
      %run_scoped3A_582 = tpu.sem_alloc : memref<!tpu.dma_semaphore, #tpu.memory_space<semaphore_mem>>
      %dma_start3A_583 = arith.constant 0 : i32
      %dma_start3A_584 = tpu.memref_slice %arg10[%run_scoped3A_406, %dma_start3A_583] : memref<8x128xf32, #tpu.memory_space<vmem>> -> memref<1x128xf32, #tpu.memory_space<vmem>>
      %dma_start3A_585 = tpu.memref_squeeze %dma_start3A_584 : memref<1x128xf32, #tpu.memory_space<vmem>> -> memref<128xf32, #tpu.memory_space<vmem>>
      %dma_start3A_586 = arith.constant 0 : i32
      %dma_start3A_587 = tpu.memref_slice %arg8[%run_scoped3A_407, %dma_start3A_586] : memref<8x128xi32, #tpu.memory_space<vmem>> -> memref<1x128xi32, #tpu.memory_space<vmem>>
      %dma_start3A_588 = tpu.memref_squeeze %dma_start3A_587 : memref<1x128xi32, #tpu.memory_space<vmem>> -> memref<128xi32, #tpu.memory_space<vmem>>
      %dma_start3A_589 = arith.constant 0 : i32
      %dma_start3A_590 = tpu.memref_slice %arg6[%dma_start3A_589] : memref<100352xf32, #tpu.memory_space<vmem_shared>> -> memref<100352xf32, #tpu.memory_space<vmem_shared>>
      tpu.enqueue_indirect_dma source(%dma_start3A_585 : memref<128xf32, #tpu.memory_space<vmem>>) target(%dma_start3A_590 : memref<100352xf32, #tpu.memory_space<vmem_shared>>) offsets(%dma_start3A_588 : memref<128xi32, #tpu.memory_space<vmem>>) semaphore(%run_scoped3A_582 : memref<!tpu.dma_semaphore, #tpu.memory_space<semaphore_mem>>) {add = true}
      %dma_wait3A_591 = arith.constant 0 : i32
      %dma_wait3A_592 = tpu.memref_slice %arg10[%run_scoped3A_406, %dma_wait3A_591] : memref<8x128xf32, #tpu.memory_space<vmem>> -> memref<1x128xf32, #tpu.memory_space<vmem>>
      %dma_wait3A_593 = tpu.memref_squeeze %dma_wait3A_592 : memref<1x128xf32, #tpu.memory_space<vmem>> -> memref<128xf32, #tpu.memory_space<vmem>>
      %dma_wait3A_594 = arith.constant 0 : i32
      %dma_wait3A_595 = tpu.memref_slice %arg8[%run_scoped3A_407, %dma_wait3A_594] : memref<8x128xi32, #tpu.memory_space<vmem>> -> memref<1x128xi32, #tpu.memory_space<vmem>>
      %dma_wait3A_596 = tpu.memref_squeeze %dma_wait3A_595 : memref<1x128xi32, #tpu.memory_space<vmem>> -> memref<128xi32, #tpu.memory_space<vmem>>
      %dma_wait3A_597 = arith.constant 0 : i32
      %dma_wait3A_598 = tpu.memref_slice %arg6[%dma_wait3A_597] : memref<100352xf32, #tpu.memory_space<vmem_shared>> -> memref<100352xf32, #tpu.memory_space<vmem_shared>>
      tpu.wait_indirect_dma semaphore(%run_scoped3A_582 : memref<!tpu.dma_semaphore, #tpu.memory_space<semaphore_mem>>) src(%dma_wait3A_593 : memref<128xf32, #tpu.memory_space<vmem>>) dst(%dma_wait3A_598 : memref<100352xf32, #tpu.memory_space<vmem_shared>>)
      tpu.yield
    }) : () -> ()
    %barrier3A_408 = arith.constant 0 : index
    tpu.barrier barrier_id(%barrier3A_408)
    %dma_start3A = arith.constant 0 : i32
    %dma_start3A_409 = arith.constant 0 : i32
    %dma_start3A_410 = arith.constant 0 : i32
    %dma_start3A_411 = tpu.memref_slice %arg12[%dma_start3A_409, %dma_start3A_410] : memref<512x64xf32, #tpu.memory_space<vmem>> -> memref<128x64xf32, #tpu.memory_space<vmem>>
    %dma_start3A_412 = arith.constant 0 : i32
    %dma_start3A_413 = tpu.memref_slice %arg9[%dma_start3A, %dma_start3A_412] : memref<4x128xi32, #tpu.memory_space<vmem>> -> memref<1x128xi32, #tpu.memory_space<vmem>>
    %dma_start3A_414 = tpu.memref_squeeze %dma_start3A_413 : memref<1x128xi32, #tpu.memory_space<vmem>> -> memref<128xi32, #tpu.memory_space<vmem>>
    %dma_start3A_415 = arith.constant 0 : i32
    %dma_start3A_416 = arith.constant 0 : i32
    %dma_start3A_417 = tpu.memref_slice %arg4[%dma_start3A_415, %dma_start3A_416] : memref<100000x64xf32, #tpu.memory_space<hbm>> -> memref<100000x64xf32, #tpu.memory_space<hbm>>
    tpu.enqueue_indirect_dma source(%dma_start3A_417 : memref<100000x64xf32, #tpu.memory_space<hbm>>) target(%dma_start3A_411 : memref<128x64xf32, #tpu.memory_space<vmem>>) offsets(%dma_start3A_414 : memref<128xi32, #tpu.memory_space<vmem>>) semaphore(%arg18 : memref<!tpu.dma_semaphore, #tpu.memory_space<semaphore_mem>>)
    %dma_start3A_418 = arith.constant 0 : i32
    %dma_start3A_419 = arith.constant 0 : i32
    %dma_start3A_420 = tpu.memref_slice %arg14[%dma_start3A_419] : memref<512xf32, #tpu.memory_space<vmem>> -> memref<128xf32, #tpu.memory_space<vmem>>
    %dma_start3A_421 = arith.constant 0 : i32
    %dma_start3A_422 = tpu.memref_slice %arg9[%dma_start3A_418, %dma_start3A_421] : memref<4x128xi32, #tpu.memory_space<vmem>> -> memref<1x128xi32, #tpu.memory_space<vmem>>
    %dma_start3A_423 = tpu.memref_squeeze %dma_start3A_422 : memref<1x128xi32, #tpu.memory_space<vmem>> -> memref<128xi32, #tpu.memory_space<vmem>>
    %dma_start3A_424 = arith.constant 0 : i32
    %dma_start3A_425 = tpu.memref_slice %arg6[%dma_start3A_424] : memref<100352xf32, #tpu.memory_space<vmem_shared>> -> memref<100352xf32, #tpu.memory_space<vmem_shared>>
    tpu.enqueue_indirect_dma source(%dma_start3A_425 : memref<100352xf32, #tpu.memory_space<vmem_shared>>) target(%dma_start3A_420 : memref<128xf32, #tpu.memory_space<vmem>>) offsets(%dma_start3A_423 : memref<128xi32, #tpu.memory_space<vmem>>) semaphore(%arg20 : memref<!tpu.dma_semaphore, #tpu.memory_space<semaphore_mem>>)
    %dma_start3A_426 = arith.constant 1 : i32
    %dma_start3A_427 = arith.constant 128 : i32
    %dma_start3A_428 = arith.constant 0 : i32
    %dma_start3A_429 = tpu.memref_slice %arg12[%dma_start3A_427, %dma_start3A_428] : memref<512x64xf32, #tpu.memory_space<vmem>> -> memref<128x64xf32, #tpu.memory_space<vmem>>
    %dma_start3A_430 = arith.constant 0 : i32
    %dma_start3A_431 = tpu.memref_slice %arg9[%dma_start3A_426, %dma_start3A_430] : memref<4x128xi32, #tpu.memory_space<vmem>> -> memref<1x128xi32, #tpu.memory_space<vmem>>
    %dma_start3A_432 = tpu.memref_squeeze %dma_start3A_431 : memref<1x128xi32, #tpu.memory_space<vmem>> -> memref<128xi32, #tpu.memory_space<vmem>>
    %dma_start3A_433 = arith.constant 0 : i32
    %dma_start3A_434 = arith.constant 0 : i32
    %dma_start3A_435 = tpu.memref_slice %arg4[%dma_start3A_433, %dma_start3A_434] : memref<100000x64xf32, #tpu.memory_space<hbm>> -> memref<100000x64xf32, #tpu.memory_space<hbm>>
    tpu.enqueue_indirect_dma source(%dma_start3A_435 : memref<100000x64xf32, #tpu.memory_space<hbm>>) target(%dma_start3A_429 : memref<128x64xf32, #tpu.memory_space<vmem>>) offsets(%dma_start3A_432 : memref<128xi32, #tpu.memory_space<vmem>>) semaphore(%arg18 : memref<!tpu.dma_semaphore, #tpu.memory_space<semaphore_mem>>)
    %dma_start3A_436 = arith.constant 1 : i32
    %dma_start3A_437 = arith.constant 128 : i32
    %dma_start3A_438 = tpu.memref_slice %arg14[%dma_start3A_437] : memref<512xf32, #tpu.memory_space<vmem>> -> memref<128xf32, #tpu.memory_space<vmem>>
    %dma_start3A_439 = arith.constant 0 : i32
    %dma_start3A_440 = tpu.memref_slice %arg9[%dma_start3A_436, %dma_start3A_439] : memref<4x128xi32, #tpu.memory_space<vmem>> -> memref<1x128xi32, #tpu.memory_space<vmem>>
    %dma_start3A_441 = tpu.memref_squeeze %dma_start3A_440 : memref<1x128xi32, #tpu.memory_space<vmem>> -> memref<128xi32, #tpu.memory_space<vmem>>
    %dma_start3A_442 = arith.constant 0 : i32
    %dma_start3A_443 = tpu.memref_slice %arg6[%dma_start3A_442] : memref<100352xf32, #tpu.memory_space<vmem_shared>> -> memref<100352xf32, #tpu.memory_space<vmem_shared>>
    tpu.enqueue_indirect_dma source(%dma_start3A_443 : memref<100352xf32, #tpu.memory_space<vmem_shared>>) target(%dma_start3A_438 : memref<128xf32, #tpu.memory_space<vmem>>) offsets(%dma_start3A_441 : memref<128xi32, #tpu.memory_space<vmem>>) semaphore(%arg20 : memref<!tpu.dma_semaphore, #tpu.memory_space<semaphore_mem>>)
    %dma_start3A_444 = arith.constant 2 : i32
    %dma_start3A_445 = arith.constant 256 : i32
    %dma_start3A_446 = arith.constant 0 : i32
    %dma_start3A_447 = tpu.memref_slice %arg12[%dma_start3A_445, %dma_start3A_446] : memref<512x64xf32, #tpu.memory_space<vmem>> -> memref<128x64xf32, #tpu.memory_space<vmem>>
    %dma_start3A_448 = arith.constant 0 : i32
    %dma_start3A_449 = tpu.memref_slice %arg9[%dma_start3A_444, %dma_start3A_448] : memref<4x128xi32, #tpu.memory_space<vmem>> -> memref<1x128xi32, #tpu.memory_space<vmem>>
    %dma_start3A_450 = tpu.memref_squeeze %dma_start3A_449 : memref<1x128xi32, #tpu.memory_space<vmem>> -> memref<128xi32, #tpu.memory_space<vmem>>
    %dma_start3A_451 = arith.constant 0 : i32
    %dma_start3A_452 = arith.constant 0 : i32
    %dma_start3A_453 = tpu.memref_slice %arg4[%dma_start3A_451, %dma_start3A_452] : memref<100000x64xf32, #tpu.memory_space<hbm>> -> memref<100000x64xf32, #tpu.memory_space<hbm>>
    tpu.enqueue_indirect_dma source(%dma_start3A_453 : memref<100000x64xf32, #tpu.memory_space<hbm>>) target(%dma_start3A_447 : memref<128x64xf32, #tpu.memory_space<vmem>>) offsets(%dma_start3A_450 : memref<128xi32, #tpu.memory_space<vmem>>) semaphore(%arg18 : memref<!tpu.dma_semaphore, #tpu.memory_space<semaphore_mem>>)
    %dma_start3A_454 = arith.constant 2 : i32
    %dma_start3A_455 = arith.constant 256 : i32
    %dma_start3A_456 = tpu.memref_slice %arg14[%dma_start3A_455] : memref<512xf32, #tpu.memory_space<vmem>> -> memref<128xf32, #tpu.memory_space<vmem>>
    %dma_start3A_457 = arith.constant 0 : i32
    %dma_start3A_458 = tpu.memref_slice %arg9[%dma_start3A_454, %dma_start3A_457] : memref<4x128xi32, #tpu.memory_space<vmem>> -> memref<1x128xi32, #tpu.memory_space<vmem>>
    %dma_start3A_459 = tpu.memref_squeeze %dma_start3A_458 : memref<1x128xi32, #tpu.memory_space<vmem>> -> memref<128xi32, #tpu.memory_space<vmem>>
    %dma_start3A_460 = arith.constant 0 : i32
    %dma_start3A_461 = tpu.memref_slice %arg6[%dma_start3A_460] : memref<100352xf32, #tpu.memory_space<vmem_shared>> -> memref<100352xf32, #tpu.memory_space<vmem_shared>>
    tpu.enqueue_indirect_dma source(%dma_start3A_461 : memref<100352xf32, #tpu.memory_space<vmem_shared>>) target(%dma_start3A_456 : memref<128xf32, #tpu.memory_space<vmem>>) offsets(%dma_start3A_459 : memref<128xi32, #tpu.memory_space<vmem>>) semaphore(%arg20 : memref<!tpu.dma_semaphore, #tpu.memory_space<semaphore_mem>>)
    %dma_start3A_462 = arith.constant 3 : i32
    %dma_start3A_463 = arith.constant 384 : i32
    %dma_start3A_464 = arith.constant 0 : i32
    %dma_start3A_465 = tpu.memref_slice %arg12[%dma_start3A_463, %dma_start3A_464] : memref<512x64xf32, #tpu.memory_space<vmem>> -> memref<128x64xf32, #tpu.memory_space<vmem>>
    %dma_start3A_466 = arith.constant 0 : i32
    %dma_start3A_467 = tpu.memref_slice %arg9[%dma_start3A_462, %dma_start3A_466] : memref<4x128xi32, #tpu.memory_space<vmem>> -> memref<1x128xi32, #tpu.memory_space<vmem>>
    %dma_start3A_468 = tpu.memref_squeeze %dma_start3A_467 : memref<1x128xi32, #tpu.memory_space<vmem>> -> memref<128xi32, #tpu.memory_space<vmem>>
    %dma_start3A_469 = arith.constant 0 : i32
    %dma_start3A_470 = arith.constant 0 : i32
    %dma_start3A_471 = tpu.memref_slice %arg4[%dma_start3A_469, %dma_start3A_470] : memref<100000x64xf32, #tpu.memory_space<hbm>> -> memref<100000x64xf32, #tpu.memory_space<hbm>>
    tpu.enqueue_indirect_dma source(%dma_start3A_471 : memref<100000x64xf32, #tpu.memory_space<hbm>>) target(%dma_start3A_465 : memref<128x64xf32, #tpu.memory_space<vmem>>) offsets(%dma_start3A_468 : memref<128xi32, #tpu.memory_space<vmem>>) semaphore(%arg18 : memref<!tpu.dma_semaphore, #tpu.memory_space<semaphore_mem>>)
    %dma_start3A_472 = arith.constant 3 : i32
    %dma_start3A_473 = arith.constant 384 : i32
    %dma_start3A_474 = tpu.memref_slice %arg14[%dma_start3A_473] : memref<512xf32, #tpu.memory_space<vmem>> -> memref<128xf32, #tpu.memory_space<vmem>>
    %dma_start3A_475 = arith.constant 0 : i32
    %dma_start3A_476 = tpu.memref_slice %arg9[%dma_start3A_472, %dma_start3A_475] : memref<4x128xi32, #tpu.memory_space<vmem>> -> memref<1x128xi32, #tpu.memory_space<vmem>>
    %dma_start3A_477 = tpu.memref_squeeze %dma_start3A_476 : memref<1x128xi32, #tpu.memory_space<vmem>> -> memref<128xi32, #tpu.memory_space<vmem>>
    %dma_start3A_478 = arith.constant 0 : i32
    %dma_start3A_479 = tpu.memref_slice %arg6[%dma_start3A_478] : memref<100352xf32, #tpu.memory_space<vmem_shared>> -> memref<100352xf32, #tpu.memory_space<vmem_shared>>
    tpu.enqueue_indirect_dma source(%dma_start3A_479 : memref<100352xf32, #tpu.memory_space<vmem_shared>>) target(%dma_start3A_474 : memref<128xf32, #tpu.memory_space<vmem>>) offsets(%dma_start3A_477 : memref<128xi32, #tpu.memory_space<vmem>>) semaphore(%arg20 : memref<!tpu.dma_semaphore, #tpu.memory_space<semaphore_mem>>)
    %mul3A_480 = arith.constant 512 : i32
    %mul3A_481 = arith.muli %add3A, %mul3A_480 : i32
    %dma_start3A_482 = arith.constant 0 : i32
    %dma_start3A_483 = tpu.memref_slice %arg3[%mul3A_481, %dma_start3A_482] : memref<16384x64xf32, #tpu.memory_space<hbm>> -> memref<512x64xf32, #tpu.memory_space<hbm>>
    %dma_start3A_484 = arith.constant 0 : i32
    %dma_start3A_485 = tpu.memref_slice %arg3[%mul3A_481, %dma_start3A_484] : memref<16384x64xf32, #tpu.memory_space<hbm>> -> memref<512x64xf32, #tpu.memory_space<hbm>>
    tpu.enqueue_dma source(%dma_start3A_485 : memref<512x64xf32, #tpu.memory_space<hbm>>) target(%arg13 : memref<512x64xf32, #tpu.memory_space<vmem>>) target_semaphore(%arg19 : memref<!tpu.dma_semaphore, #tpu.memory_space<semaphore_mem>>)
    %dma_wait3A = arith.constant 0 : i32
    %dma_wait3A_486 = arith.constant 0 : i32
    %dma_wait3A_487 = arith.constant 0 : i32
    %dma_wait3A_488 = tpu.memref_slice %arg12[%dma_wait3A_486, %dma_wait3A_487] : memref<512x64xf32, #tpu.memory_space<vmem>> -> memref<128x64xf32, #tpu.memory_space<vmem>>
    %dma_wait3A_489 = arith.constant 0 : i32
    %dma_wait3A_490 = tpu.memref_slice %arg9[%dma_wait3A, %dma_wait3A_489] : memref<4x128xi32, #tpu.memory_space<vmem>> -> memref<1x128xi32, #tpu.memory_space<vmem>>
    %dma_wait3A_491 = tpu.memref_squeeze %dma_wait3A_490 : memref<1x128xi32, #tpu.memory_space<vmem>> -> memref<128xi32, #tpu.memory_space<vmem>>
    %dma_wait3A_492 = arith.constant 0 : i32
    %dma_wait3A_493 = arith.constant 0 : i32
    %dma_wait3A_494 = tpu.memref_slice %arg4[%dma_wait3A_492, %dma_wait3A_493] : memref<100000x64xf32, #tpu.memory_space<hbm>> -> memref<100000x64xf32, #tpu.memory_space<hbm>>
    tpu.wait_indirect_dma semaphore(%arg18 : memref<!tpu.dma_semaphore, #tpu.memory_space<semaphore_mem>>) src(%dma_wait3A_494 : memref<100000x64xf32, #tpu.memory_space<hbm>>) dst(%dma_wait3A_488 : memref<128x64xf32, #tpu.memory_space<vmem>>)
    %dma_wait3A_495 = arith.constant 0 : i32
    %dma_wait3A_496 = arith.constant 0 : i32
    %dma_wait3A_497 = tpu.memref_slice %arg14[%dma_wait3A_496] : memref<512xf32, #tpu.memory_space<vmem>> -> memref<128xf32, #tpu.memory_space<vmem>>
    %dma_wait3A_498 = arith.constant 0 : i32
    %dma_wait3A_499 = tpu.memref_slice %arg9[%dma_wait3A_495, %dma_wait3A_498] : memref<4x128xi32, #tpu.memory_space<vmem>> -> memref<1x128xi32, #tpu.memory_space<vmem>>
    %dma_wait3A_500 = tpu.memref_squeeze %dma_wait3A_499 : memref<1x128xi32, #tpu.memory_space<vmem>> -> memref<128xi32, #tpu.memory_space<vmem>>
    %dma_wait3A_501 = arith.constant 0 : i32
    %dma_wait3A_502 = tpu.memref_slice %arg6[%dma_wait3A_501] : memref<100352xf32, #tpu.memory_space<vmem_shared>> -> memref<100352xf32, #tpu.memory_space<vmem_shared>>
    tpu.wait_indirect_dma semaphore(%arg20 : memref<!tpu.dma_semaphore, #tpu.memory_space<semaphore_mem>>) src(%dma_wait3A_502 : memref<100352xf32, #tpu.memory_space<vmem_shared>>) dst(%dma_wait3A_497 : memref<128xf32, #tpu.memory_space<vmem>>)
    %dma_wait3A_503 = arith.constant 1 : i32
    %dma_wait3A_504 = arith.constant 128 : i32
    %dma_wait3A_505 = arith.constant 0 : i32
    %dma_wait3A_506 = tpu.memref_slice %arg12[%dma_wait3A_504, %dma_wait3A_505] : memref<512x64xf32, #tpu.memory_space<vmem>> -> memref<128x64xf32, #tpu.memory_space<vmem>>
    %dma_wait3A_507 = arith.constant 0 : i32
    %dma_wait3A_508 = tpu.memref_slice %arg9[%dma_wait3A_503, %dma_wait3A_507] : memref<4x128xi32, #tpu.memory_space<vmem>> -> memref<1x128xi32, #tpu.memory_space<vmem>>
    %dma_wait3A_509 = tpu.memref_squeeze %dma_wait3A_508 : memref<1x128xi32, #tpu.memory_space<vmem>> -> memref<128xi32, #tpu.memory_space<vmem>>
    %dma_wait3A_510 = arith.constant 0 : i32
    %dma_wait3A_511 = arith.constant 0 : i32
    %dma_wait3A_512 = tpu.memref_slice %arg4[%dma_wait3A_510, %dma_wait3A_511] : memref<100000x64xf32, #tpu.memory_space<hbm>> -> memref<100000x64xf32, #tpu.memory_space<hbm>>
    tpu.wait_indirect_dma semaphore(%arg18 : memref<!tpu.dma_semaphore, #tpu.memory_space<semaphore_mem>>) src(%dma_wait3A_512 : memref<100000x64xf32, #tpu.memory_space<hbm>>) dst(%dma_wait3A_506 : memref<128x64xf32, #tpu.memory_space<vmem>>)
    %dma_wait3A_513 = arith.constant 1 : i32
    %dma_wait3A_514 = arith.constant 128 : i32
    %dma_wait3A_515 = tpu.memref_slice %arg14[%dma_wait3A_514] : memref<512xf32, #tpu.memory_space<vmem>> -> memref<128xf32, #tpu.memory_space<vmem>>
    %dma_wait3A_516 = arith.constant 0 : i32
    %dma_wait3A_517 = tpu.memref_slice %arg9[%dma_wait3A_513, %dma_wait3A_516] : memref<4x128xi32, #tpu.memory_space<vmem>> -> memref<1x128xi32, #tpu.memory_space<vmem>>
    %dma_wait3A_518 = tpu.memref_squeeze %dma_wait3A_517 : memref<1x128xi32, #tpu.memory_space<vmem>> -> memref<128xi32, #tpu.memory_space<vmem>>
    %dma_wait3A_519 = arith.constant 0 : i32
    %dma_wait3A_520 = tpu.memref_slice %arg6[%dma_wait3A_519] : memref<100352xf32, #tpu.memory_space<vmem_shared>> -> memref<100352xf32, #tpu.memory_space<vmem_shared>>
    tpu.wait_indirect_dma semaphore(%arg20 : memref<!tpu.dma_semaphore, #tpu.memory_space<semaphore_mem>>) src(%dma_wait3A_520 : memref<100352xf32, #tpu.memory_space<vmem_shared>>) dst(%dma_wait3A_515 : memref<128xf32, #tpu.memory_space<vmem>>)
    %dma_wait3A_521 = arith.constant 2 : i32
    %dma_wait3A_522 = arith.constant 256 : i32
    %dma_wait3A_523 = arith.constant 0 : i32
    %dma_wait3A_524 = tpu.memref_slice %arg12[%dma_wait3A_522, %dma_wait3A_523] : memref<512x64xf32, #tpu.memory_space<vmem>> -> memref<128x64xf32, #tpu.memory_space<vmem>>
    %dma_wait3A_525 = arith.constant 0 : i32
    %dma_wait3A_526 = tpu.memref_slice %arg9[%dma_wait3A_521, %dma_wait3A_525] : memref<4x128xi32, #tpu.memory_space<vmem>> -> memref<1x128xi32, #tpu.memory_space<vmem>>
    %dma_wait3A_527 = tpu.memref_squeeze %dma_wait3A_526 : memref<1x128xi32, #tpu.memory_space<vmem>> -> memref<128xi32, #tpu.memory_space<vmem>>
    %dma_wait3A_528 = arith.constant 0 : i32
    %dma_wait3A_529 = arith.constant 0 : i32
    %dma_wait3A_530 = tpu.memref_slice %arg4[%dma_wait3A_528, %dma_wait3A_529] : memref<100000x64xf32, #tpu.memory_space<hbm>> -> memref<100000x64xf32, #tpu.memory_space<hbm>>
    tpu.wait_indirect_dma semaphore(%arg18 : memref<!tpu.dma_semaphore, #tpu.memory_space<semaphore_mem>>) src(%dma_wait3A_530 : memref<100000x64xf32, #tpu.memory_space<hbm>>) dst(%dma_wait3A_524 : memref<128x64xf32, #tpu.memory_space<vmem>>)
    %dma_wait3A_531 = arith.constant 2 : i32
    %dma_wait3A_532 = arith.constant 256 : i32
    %dma_wait3A_533 = tpu.memref_slice %arg14[%dma_wait3A_532] : memref<512xf32, #tpu.memory_space<vmem>> -> memref<128xf32, #tpu.memory_space<vmem>>
    %dma_wait3A_534 = arith.constant 0 : i32
    %dma_wait3A_535 = tpu.memref_slice %arg9[%dma_wait3A_531, %dma_wait3A_534] : memref<4x128xi32, #tpu.memory_space<vmem>> -> memref<1x128xi32, #tpu.memory_space<vmem>>
    %dma_wait3A_536 = tpu.memref_squeeze %dma_wait3A_535 : memref<1x128xi32, #tpu.memory_space<vmem>> -> memref<128xi32, #tpu.memory_space<vmem>>
    %dma_wait3A_537 = arith.constant 0 : i32
    %dma_wait3A_538 = tpu.memref_slice %arg6[%dma_wait3A_537] : memref<100352xf32, #tpu.memory_space<vmem_shared>> -> memref<100352xf32, #tpu.memory_space<vmem_shared>>
    tpu.wait_indirect_dma semaphore(%arg20 : memref<!tpu.dma_semaphore, #tpu.memory_space<semaphore_mem>>) src(%dma_wait3A_538 : memref<100352xf32, #tpu.memory_space<vmem_shared>>) dst(%dma_wait3A_533 : memref<128xf32, #tpu.memory_space<vmem>>)
    %dma_wait3A_539 = arith.constant 3 : i32
    %dma_wait3A_540 = arith.constant 384 : i32
    %dma_wait3A_541 = arith.constant 0 : i32
    %dma_wait3A_542 = tpu.memref_slice %arg12[%dma_wait3A_540, %dma_wait3A_541] : memref<512x64xf32, #tpu.memory_space<vmem>> -> memref<128x64xf32, #tpu.memory_space<vmem>>
    %dma_wait3A_543 = arith.constant 0 : i32
    %dma_wait3A_544 = tpu.memref_slice %arg9[%dma_wait3A_539, %dma_wait3A_543] : memref<4x128xi32, #tpu.memory_space<vmem>> -> memref<1x128xi32, #tpu.memory_space<vmem>>
    %dma_wait3A_545 = tpu.memref_squeeze %dma_wait3A_544 : memref<1x128xi32, #tpu.memory_space<vmem>> -> memref<128xi32, #tpu.memory_space<vmem>>
    %dma_wait3A_546 = arith.constant 0 : i32
    %dma_wait3A_547 = arith.constant 0 : i32
    %dma_wait3A_548 = tpu.memref_slice %arg4[%dma_wait3A_546, %dma_wait3A_547] : memref<100000x64xf32, #tpu.memory_space<hbm>> -> memref<100000x64xf32, #tpu.memory_space<hbm>>
    tpu.wait_indirect_dma semaphore(%arg18 : memref<!tpu.dma_semaphore, #tpu.memory_space<semaphore_mem>>) src(%dma_wait3A_548 : memref<100000x64xf32, #tpu.memory_space<hbm>>) dst(%dma_wait3A_542 : memref<128x64xf32, #tpu.memory_space<vmem>>)
    %dma_wait3A_549 = arith.constant 3 : i32
    %dma_wait3A_550 = arith.constant 384 : i32
    %dma_wait3A_551 = tpu.memref_slice %arg14[%dma_wait3A_550] : memref<512xf32, #tpu.memory_space<vmem>> -> memref<128xf32, #tpu.memory_space<vmem>>
    %dma_wait3A_552 = arith.constant 0 : i32
    %dma_wait3A_553 = tpu.memref_slice %arg9[%dma_wait3A_549, %dma_wait3A_552] : memref<4x128xi32, #tpu.memory_space<vmem>> -> memref<1x128xi32, #tpu.memory_space<vmem>>
    %dma_wait3A_554 = tpu.memref_squeeze %dma_wait3A_553 : memref<1x128xi32, #tpu.memory_space<vmem>> -> memref<128xi32, #tpu.memory_space<vmem>>
    %dma_wait3A_555 = arith.constant 0 : i32
    %dma_wait3A_556 = tpu.memref_slice %arg6[%dma_wait3A_555] : memref<100352xf32, #tpu.memory_space<vmem_shared>> -> memref<100352xf32, #tpu.memory_space<vmem_shared>>
    tpu.wait_indirect_dma semaphore(%arg20 : memref<!tpu.dma_semaphore, #tpu.memory_space<semaphore_mem>>) src(%dma_wait3A_556 : memref<100352xf32, #tpu.memory_space<vmem_shared>>) dst(%dma_wait3A_551 : memref<128xf32, #tpu.memory_space<vmem>>)
    %dma_wait3A_557 = arith.constant 0 : i32
    %dma_wait3A_558 = tpu.memref_slice %arg3[%mul3A_481, %dma_wait3A_557] : memref<16384x64xf32, #tpu.memory_space<hbm>> -> memref<512x64xf32, #tpu.memory_space<hbm>>
    %dma_wait3A_559 = arith.constant 0 : i32
    %dma_wait3A_560 = tpu.memref_slice %arg3[%mul3A_481, %dma_wait3A_559] : memref<16384x64xf32, #tpu.memory_space<hbm>> -> memref<512x64xf32, #tpu.memory_space<hbm>>
    tpu.wait_dma2 semaphore(%arg19 : memref<!tpu.dma_semaphore, #tpu.memory_space<semaphore_mem>>) src(%dma_wait3A_560 : memref<512x64xf32, #tpu.memory_space<hbm>>) dst(%arg13 : memref<512x64xf32, #tpu.memory_space<vmem>>)
    %scan3A_561 = arith.constant 0 : i32
    %scan3A_562 = arith.constant 32 : i32
    %scan3A_563 = arith.addi %scan3A_561, %scan3A_562 : i32
    %scan3A_564 = arith.constant 1 : i32
    scf.for %scan3A_582 = %scan3A_561 to %scan3A_563 step %scan3A_564  : i32 {
      %mul3A_583 = arith.constant 1 : i32
      %mul3A_584 = arith.muli %scan3A_582, %mul3A_583 : i32
      %add3A_585 = arith.constant 0 : i32
      %add3A_586 = arith.addi %add3A_585, %mul3A_584 : i32
      %mul3A_587 = arith.constant 16 : i32
      %mul3A_588 = arith.muli %add3A_586, %mul3A_587 : i32
      %get3A = arith.index_cast %mul3A_588 : i32 to index
      %get3A_589 = tpu.vector_load %arg14[%get3A] {strides = array<i32>} : memref<512xf32, #tpu.memory_space<vmem>>, vector<16xf32>,
      %add3A_590 = arith.constant 1.000000e+00 : f32
      %add3A_591 = vector.broadcast %add3A_590 : f32 to vector<16xf32>
      %add3A_592 = arith.addf %add3A_591, %get3A_589 : vector<16xf32>
      %div3A = arith.constant 1.000000e+00 : f32
      %div3A_593 = vector.broadcast %div3A : f32 to vector<16xf32>
      %div3A_594 = arith.divf %div3A_593, %add3A_592 : vector<16xf32>
      %mul3A_595 = arith.constant 16 : i32
      %mul3A_596 = arith.muli %add3A_586, %mul3A_595 : i32
      %swap3A_597 = arith.index_cast %mul3A_596 : i32 to index
      %swap3A_598 = tpu.vector_load %arg15[%swap3A_597] {strides = array<i32>} : memref<512xf32, #tpu.memory_space<vmem>>, vector<16xf32>,
      tpu.vector_store %arg15[%swap3A_597], %div3A_594 {strides = array<i32>} : memref<512xf32, #tpu.memory_space<vmem>>, vector<16xf32>,
    }
    %scan3A_565 = arith.constant 32 : i32
    %broadcast_in_dim3A_566 = arith.constant 0.000000e+00 : f32
    %broadcast_in_dim3A_567 = vector.broadcast %broadcast_in_dim3A_566 : f32 to vector<16xf32>
    %scan3A_568 = arith.constant 0 : i32
    %scan3A_569 = arith.constant 512 : i32
    %scan3A_570 = arith.addi %scan3A_568, %scan3A_569 : i32
    %scan3A_571 = arith.constant 1 : i32
    %scan3A_572:4 = scf.for %scan3A_582 = %scan3A_568 to %scan3A_570 step %scan3A_571 iter_args(%scan3A_583 = %broadcast_in_dim3A_567, %scan3A_584 = %broadcast_in_dim3A_567, %scan3A_585 = %broadcast_in_dim3A_567, %scan3A_586 = %broadcast_in_dim3A_567) -> (vector<16xf32>, vector<16xf32>, vector<16xf32>, vector<16xf32>)  : i32 {
      %broadcast_in_dim3A_587 = vector.broadcast %scan3A_582 : i32 to vector<16xi32>
      %gather3A = tpu.vector_load_idx %arg15[%broadcast_in_dim3A_587] : memref<512xf32, #tpu.memory_space<vmem>>[vector<16xi32>], vector<16xf32>,
      %get3A = arith.index_cast %scan3A_582 : i32 to index
      %get3A_588 = arith.constant 0 : index
      %get3A_589 = tpu.vector_load %arg13[%get3A, %get3A_588] {strides = array<i32>} : memref<512x64xf32, #tpu.memory_space<vmem>>, vector<16xf32>,
      %get3A_590 = arith.index_cast %scan3A_582 : i32 to index
      %get3A_591 = arith.constant 0 : index
      %get3A_592 = tpu.vector_load %arg12[%get3A_590, %get3A_591] {strides = array<i32>} : memref<512x64xf32, #tpu.memory_space<vmem>>, vector<16xf32>,
      %sub3A = arith.subf %get3A_589, %get3A_592 : vector<16xf32>
      %get3A_593 = arith.index_cast %scan3A_582 : i32 to index
      %get3A_594 = arith.constant 16 : index
      %get3A_595 = tpu.vector_load %arg13[%get3A_593, %get3A_594] {strides = array<i32>} : memref<512x64xf32, #tpu.memory_space<vmem>>, vector<16xf32>,
      %get3A_596 = arith.index_cast %scan3A_582 : i32 to index
      %get3A_597 = arith.constant 16 : index
      %get3A_598 = tpu.vector_load %arg12[%get3A_596, %get3A_597] {strides = array<i32>} : memref<512x64xf32, #tpu.memory_space<vmem>>, vector<16xf32>,
      %sub3A_599 = arith.subf %get3A_595, %get3A_598 : vector<16xf32>
      %get3A_600 = arith.index_cast %scan3A_582 : i32 to index
      %get3A_601 = arith.constant 32 : index
      %get3A_602 = tpu.vector_load %arg13[%get3A_600, %get3A_601] {strides = array<i32>} : memref<512x64xf32, #tpu.memory_space<vmem>>, vector<16xf32>,
      %get3A_603 = arith.index_cast %scan3A_582 : i32 to index
      %get3A_604 = arith.constant 32 : index
      %get3A_605 = tpu.vector_load %arg12[%get3A_603, %get3A_604] {strides = array<i32>} : memref<512x64xf32, #tpu.memory_space<vmem>>, vector<16xf32>,
      %sub3A_606 = arith.subf %get3A_602, %get3A_605 : vector<16xf32>
      %get3A_607 = arith.index_cast %scan3A_582 : i32 to index
      %get3A_608 = arith.constant 48 : index
      %get3A_609 = tpu.vector_load %arg13[%get3A_607, %get3A_608] {strides = array<i32>} : memref<512x64xf32, #tpu.memory_space<vmem>>, vector<16xf32>,
      %get3A_610 = arith.index_cast %scan3A_582 : i32 to index
      %get3A_611 = arith.constant 48 : index
      %get3A_612 = tpu.vector_load %arg12[%get3A_610, %get3A_611] {strides = array<i32>} : memref<512x64xf32, #tpu.memory_space<vmem>>, vector<16xf32>,
      %sub3A_613 = arith.subf %get3A_609, %get3A_612 : vector<16xf32>
      %mul3A_614 = arith.mulf %gather3A, %sub3A : vector<16xf32>
      %mul3A_615 = arith.mulf %mul3A_614, %sub3A : vector<16xf32>
      %add3A_616 = arith.addf %scan3A_583, %mul3A_615 : vector<16xf32>
      %mul3A_617 = arith.mulf %gather3A, %sub3A_599 : vector<16xf32>
      %mul3A_618 = arith.mulf %mul3A_617, %sub3A_599 : vector<16xf32>
      %add3A_619 = arith.addf %scan3A_584, %mul3A_618 : vector<16xf32>
      %mul3A_620 = arith.mulf %gather3A, %sub3A_606 : vector<16xf32>
      %mul3A_621 = arith.mulf %mul3A_620, %sub3A_606 : vector<16xf32>
      %add3A_622 = arith.addf %scan3A_585, %mul3A_621 : vector<16xf32>
      %mul3A_623 = arith.mulf %gather3A, %sub3A_613 : vector<16xf32>
      %mul3A_624 = arith.mulf %mul3A_623, %sub3A_613 : vector<16xf32>
      %add3A_625 = arith.addf %scan3A_586, %mul3A_624 : vector<16xf32>
      scf.yield %add3A_616, %add3A_619, %add3A_622, %add3A_625 : vector<16xf32>, vector<16xf32>, vector<16xf32>, vector<16xf32>
    }
    %scan3A_573 = arith.constant 512 : i32
    %add3A_574 = arith.addf %scan3A_572#0, %scan3A_572#1 : vector<16xf32>
    %add3A_575 = arith.addf %scan3A_572#2, %scan3A_572#3 : vector<16xf32>
    %add3A_576 = arith.addf %add3A_574, %add3A_575 : vector<16xf32>
    %swap3A_577 = arith.constant 0 : index
    %swap3A_578 = tpu.vector_load %arg16[%swap3A_577] {strides = array<i32>} : memref<16xf32, #tpu.memory_space<vmem>>, vector<16xf32>,
    tpu.vector_store %arg16[%swap3A_577], %add3A_576 {strides = array<i32>} : memref<16xf32, #tpu.memory_space<vmem>>, vector<16xf32>,
    "tpu.region"() ({
      %run_scoped3A_582 = tpu.sem_alloc : memref<!tpu.dma_semaphore, #tpu.memory_space<semaphore_mem>>
      %dma_start3A_583 = arith.constant 0 : i32
      %dma_start3A_584 = tpu.memref_slice %arg7[%arg1, %dma_start3A_583] : memref<16x16xf32, #tpu.memory_space<vmem_shared>> -> memref<1x16xf32, #tpu.memory_space<vmem_shared>>
      %dma_start3A_585 = tpu.memref_squeeze %dma_start3A_584 : memref<1x16xf32, #tpu.memory_space<vmem_shared>> -> memref<16xf32, #tpu.memory_space<vmem_shared>>
      %dma_start3A_586 = arith.constant 0 : i32
      %dma_start3A_587 = tpu.memref_slice %arg7[%arg1, %dma_start3A_586] : memref<16x16xf32, #tpu.memory_space<vmem_shared>> -> memref<1x16xf32, #tpu.memory_space<vmem_shared>>
      %dma_start3A_588 = tpu.memref_squeeze %dma_start3A_587 : memref<1x16xf32, #tpu.memory_space<vmem_shared>> -> memref<16xf32, #tpu.memory_space<vmem_shared>>
      tpu.enqueue_dma source(%arg16 : memref<16xf32, #tpu.memory_space<vmem>>) target(%dma_start3A_588 : memref<16xf32, #tpu.memory_space<vmem_shared>>) target_semaphore(%run_scoped3A_582 : memref<!tpu.dma_semaphore, #tpu.memory_space<semaphore_mem>>)
      %dma_wait3A_589 = arith.constant 0 : i32
      %dma_wait3A_590 = tpu.memref_slice %arg7[%arg1, %dma_wait3A_589] : memref<16x16xf32, #tpu.memory_space<vmem_shared>> -> memref<1x16xf32, #tpu.memory_space<vmem_shared>>
      %dma_wait3A_591 = tpu.memref_squeeze %dma_wait3A_590 : memref<1x16xf32, #tpu.memory_space<vmem_shared>> -> memref<16xf32, #tpu.memory_space<vmem_shared>>
      %dma_wait3A_592 = arith.constant 0 : i32
      %dma_wait3A_593 = tpu.memref_slice %arg7[%arg1, %dma_wait3A_592] : memref<16x16xf32, #tpu.memory_space<vmem_shared>> -> memref<1x16xf32, #tpu.memory_space<vmem_shared>>
      %dma_wait3A_594 = tpu.memref_squeeze %dma_wait3A_593 : memref<1x16xf32, #tpu.memory_space<vmem_shared>> -> memref<16xf32, #tpu.memory_space<vmem_shared>>
      tpu.wait_dma2 semaphore(%run_scoped3A_582 : memref<!tpu.dma_semaphore, #tpu.memory_space<semaphore_mem>>) src(%arg16 : memref<16xf32, #tpu.memory_space<vmem>>) dst(%dma_wait3A_594 : memref<16xf32, #tpu.memory_space<vmem_shared>>)
      tpu.yield
    }) : () -> ()
    %barrier3A_579 = arith.constant 0 : index
    tpu.barrier barrier_id(%barrier3A_579)
    %eq3A = arith.constant 0 : i32
    %eq3A_580 = arith.cmpi eq, %arg1, %eq3A : i32
    %convert_element_type3A = arith.extui %eq3A_580 : i1 to i32
    %cond3A = arith.constant 0 : i32
    %cond3A_581 = arith.cmpi ne, %convert_element_type3A, %cond3A : i32
    scf.if %cond3A_581 {
      "tpu.region"() ({
        %run_scoped3A_662 = tpu.sem_alloc : memref<!tpu.dma_semaphore, #tpu.memory_space<semaphore_mem>>
        tpu.enqueue_dma source(%arg7 : memref<16x16xf32, #tpu.memory_space<vmem_shared>>) target(%arg17 : memref<16x16xf32, #tpu.memory_space<vmem>>) target_semaphore(%run_scoped3A_662 : memref<!tpu.dma_semaphore, #tpu.memory_space<semaphore_mem>>)
        tpu.wait_dma2 semaphore(%run_scoped3A_662 : memref<!tpu.dma_semaphore, #tpu.memory_space<semaphore_mem>>) src(%arg7 : memref<16x16xf32, #tpu.memory_space<vmem_shared>>) dst(%arg17 : memref<16x16xf32, #tpu.memory_space<vmem>>)
        tpu.yield
      }) : () -> ()
      %get3A = arith.constant 0 : i32
      %get3A_582 = arith.index_cast %get3A : i32 to index
      %get3A_583 = arith.constant 0 : index
      %get3A_584 = tpu.vector_load %arg17[%get3A_582, %get3A_583] {strides = array<i32>} : memref<16x16xf32, #tpu.memory_space<vmem>>, vector<16xf32>,
      %get3A_585 = arith.constant 1 : i32
      %get3A_586 = arith.index_cast %get3A_585 : i32 to index
      %get3A_587 = arith.constant 0 : index
      %get3A_588 = tpu.vector_load %arg17[%get3A_586, %get3A_587] {strides = array<i32>} : memref<16x16xf32, #tpu.memory_space<vmem>>, vector<16xf32>,
      %add3A_589 = arith.addf %get3A_584, %get3A_588 : vector<16xf32>
      %get3A_590 = arith.constant 2 : i32
      %get3A_591 = arith.index_cast %get3A_590 : i32 to index
      %get3A_592 = arith.constant 0 : index
      %get3A_593 = tpu.vector_load %arg17[%get3A_591, %get3A_592] {strides = array<i32>} : memref<16x16xf32, #tpu.memory_space<vmem>>, vector<16xf32>,
      %add3A_594 = arith.addf %add3A_589, %get3A_593 : vector<16xf32>
      %get3A_595 = arith.constant 3 : i32
      %get3A_596 = arith.index_cast %get3A_595 : i32 to index
      %get3A_597 = arith.constant 0 : index
      %get3A_598 = tpu.vector_load %arg17[%get3A_596, %get3A_597] {strides = array<i32>} : memref<16x16xf32, #tpu.memory_space<vmem>>, vector<16xf32>,
      %add3A_599 = arith.addf %add3A_594, %get3A_598 : vector<16xf32>
      %get3A_600 = arith.constant 4 : i32
      %get3A_601 = arith.index_cast %get3A_600 : i32 to index
      %get3A_602 = arith.constant 0 : index
      %get3A_603 = tpu.vector_load %arg17[%get3A_601, %get3A_602] {strides = array<i32>} : memref<16x16xf32, #tpu.memory_space<vmem>>, vector<16xf32>,
      %add3A_604 = arith.addf %add3A_599, %get3A_603 : vector<16xf32>
      %get3A_605 = arith.constant 5 : i32
      %get3A_606 = arith.index_cast %get3A_605 : i32 to index
      %get3A_607 = arith.constant 0 : index
      %get3A_608 = tpu.vector_load %arg17[%get3A_606, %get3A_607] {strides = array<i32>} : memref<16x16xf32, #tpu.memory_space<vmem>>, vector<16xf32>,
      %add3A_609 = arith.addf %add3A_604, %get3A_608 : vector<16xf32>
      %get3A_610 = arith.constant 6 : i32
      %get3A_611 = arith.index_cast %get3A_610 : i32 to index
      %get3A_612 = arith.constant 0 : index
      %get3A_613 = tpu.vector_load %arg17[%get3A_611, %get3A_612] {strides = array<i32>} : memref<16x16xf32, #tpu.memory_space<vmem>>, vector<16xf32>,
      %add3A_614 = arith.addf %add3A_609, %get3A_613 : vector<16xf32>
      %get3A_615 = arith.constant 7 : i32
      %get3A_616 = arith.index_cast %get3A_615 : i32 to index
      %get3A_617 = arith.constant 0 : index
      %get3A_618 = tpu.vector_load %arg17[%get3A_616, %get3A_617] {strides = array<i32>} : memref<16x16xf32, #tpu.memory_space<vmem>>, vector<16xf32>,
      %add3A_619 = arith.addf %add3A_614, %get3A_618 : vector<16xf32>
      %get3A_620 = arith.constant 8 : i32
      %get3A_621 = arith.index_cast %get3A_620 : i32 to index
      %get3A_622 = arith.constant 0 : index
      %get3A_623 = tpu.vector_load %arg17[%get3A_621, %get3A_622] {strides = array<i32>} : memref<16x16xf32, #tpu.memory_space<vmem>>, vector<16xf32>,
      %add3A_624 = arith.addf %add3A_619, %get3A_623 : vector<16xf32>
      %get3A_625 = arith.constant 9 : i32
      %get3A_626 = arith.index_cast %get3A_625 : i32 to index
      %get3A_627 = arith.constant 0 : index
      %get3A_628 = tpu.vector_load %arg17[%get3A_626, %get3A_627] {strides = array<i32>} : memref<16x16xf32, #tpu.memory_space<vmem>>, vector<16xf32>,
      %add3A_629 = arith.addf %add3A_624, %get3A_628 : vector<16xf32>
      %get3A_630 = arith.constant 10 : i32
      %get3A_631 = arith.index_cast %get3A_630 : i32 to index
      %get3A_632 = arith.constant 0 : index
      %get3A_633 = tpu.vector_load %arg17[%get3A_631, %get3A_632] {strides = array<i32>} : memref<16x16xf32, #tpu.memory_space<vmem>>, vector<16xf32>,
      %add3A_634 = arith.addf %add3A_629, %get3A_633 : vector<16xf32>
      %get3A_635 = arith.constant 11 : i32
      %get3A_636 = arith.index_cast %get3A_635 : i32 to index
      %get3A_637 = arith.constant 0 : index
      %get3A_638 = tpu.vector_load %arg17[%get3A_636, %get3A_637] {strides = array<i32>} : memref<16x16xf32, #tpu.memory_space<vmem>>, vector<16xf32>,
      %add3A_639 = arith.addf %add3A_634, %get3A_638 : vector<16xf32>
      %get3A_640 = arith.constant 12 : i32
      %get3A_641 = arith.index_cast %get3A_640 : i32 to index
      %get3A_642 = arith.constant 0 : index
      %get3A_643 = tpu.vector_load %arg17[%get3A_641, %get3A_642] {strides = array<i32>} : memref<16x16xf32, #tpu.memory_space<vmem>>, vector<16xf32>,
      %add3A_644 = arith.addf %add3A_639, %get3A_643 : vector<16xf32>
      %get3A_645 = arith.constant 13 : i32
      %get3A_646 = arith.index_cast %get3A_645 : i32 to index
      %get3A_647 = arith.constant 0 : index
      %get3A_648 = tpu.vector_load %arg17[%get3A_646, %get3A_647] {strides = array<i32>} : memref<16x16xf32, #tpu.memory_space<vmem>>, vector<16xf32>,
      %add3A_649 = arith.addf %add3A_644, %get3A_648 : vector<16xf32>
      %get3A_650 = arith.constant 14 : i32
      %get3A_651 = arith.index_cast %get3A_650 : i32 to index
      %get3A_652 = arith.constant 0 : index
      %get3A_653 = tpu.vector_load %arg17[%get3A_651, %get3A_652] {strides = array<i32>} : memref<16x16xf32, #tpu.memory_space<vmem>>, vector<16xf32>,
      %add3A_654 = arith.addf %add3A_649, %get3A_653 : vector<16xf32>
      %get3A_655 = arith.constant 15 : i32
      %get3A_656 = arith.index_cast %get3A_655 : i32 to index
      %get3A_657 = arith.constant 0 : index
      %get3A_658 = tpu.vector_load %arg17[%get3A_656, %get3A_657] {strides = array<i32>} : memref<16x16xf32, #tpu.memory_space<vmem>>, vector<16xf32>,
      %add3A_659 = arith.addf %add3A_654, %get3A_658 : vector<16xf32>
      %swap3A_660 = arith.constant 0 : index
      %swap3A_661 = tpu.vector_load %arg16[%swap3A_660] {strides = array<i32>} : memref<16xf32, #tpu.memory_space<vmem>>, vector<16xf32>,
      tpu.vector_store %arg16[%swap3A_660], %add3A_659 {strides = array<i32>} : memref<16xf32, #tpu.memory_space<vmem>>, vector<16xf32>,
      "tpu.region"() ({
        %run_scoped3A_662 = tpu.sem_alloc : memref<!tpu.dma_semaphore, #tpu.memory_space<semaphore_mem>>
        %dma_start3A_663 = arith.constant 0 : i32
        %dma_start3A_664 = tpu.memref_slice %arg5[%arg0, %dma_start3A_663] : memref<2x16xf32, #tpu.memory_space<hbm>> -> memref<1x16xf32, #tpu.memory_space<hbm>>
        %dma_start3A_665 = tpu.memref_squeeze %dma_start3A_664 : memref<1x16xf32, #tpu.memory_space<hbm>> -> memref<16xf32, #tpu.memory_space<hbm>>
        %dma_start3A_666 = arith.constant 0 : i32
        %dma_start3A_667 = tpu.memref_slice %arg5[%arg0, %dma_start3A_666] : memref<2x16xf32, #tpu.memory_space<hbm>> -> memref<1x16xf32, #tpu.memory_space<hbm>>
        %dma_start3A_668 = tpu.memref_squeeze %dma_start3A_667 : memref<1x16xf32, #tpu.memory_space<hbm>> -> memref<16xf32, #tpu.memory_space<hbm>>
        tpu.enqueue_dma source(%arg16 : memref<16xf32, #tpu.memory_space<vmem>>) target(%dma_start3A_668 : memref<16xf32, #tpu.memory_space<hbm>>) target_semaphore(%run_scoped3A_662 : memref<!tpu.dma_semaphore, #tpu.memory_space<semaphore_mem>>)
        %dma_wait3A_669 = arith.constant 0 : i32
        %dma_wait3A_670 = tpu.memref_slice %arg5[%arg0, %dma_wait3A_669] : memref<2x16xf32, #tpu.memory_space<hbm>> -> memref<1x16xf32, #tpu.memory_space<hbm>>
        %dma_wait3A_671 = tpu.memref_squeeze %dma_wait3A_670 : memref<1x16xf32, #tpu.memory_space<hbm>> -> memref<16xf32, #tpu.memory_space<hbm>>
        %dma_wait3A_672 = arith.constant 0 : i32
        %dma_wait3A_673 = tpu.memref_slice %arg5[%arg0, %dma_wait3A_672] : memref<2x16xf32, #tpu.memory_space<hbm>> -> memref<1x16xf32, #tpu.memory_space<hbm>>
        %dma_wait3A_674 = tpu.memref_squeeze %dma_wait3A_673 : memref<1x16xf32, #tpu.memory_space<hbm>> -> memref<16xf32, #tpu.memory_space<hbm>>
        tpu.wait_dma2 semaphore(%run_scoped3A_662 : memref<!tpu.dma_semaphore, #tpu.memory_space<semaphore_mem>>) src(%arg16 : memref<16xf32, #tpu.memory_space<vmem>>) dst(%dma_wait3A_674 : memref<16xf32, #tpu.memory_space<hbm>>)
        tpu.yield
      }) : () -> ()
    } else {
    }
    return
  }
}

</mosaic_0001>

<sc_bundles>
// kernel: _center_loss.3.cloned.1.call-start
scs
__scs_entry_jumppad:
0x0: {  	(pc) =	sbr.rel $0x88, $3  }
0x1: {  	(tag) =	ssettag $0x0;
	lr =	simm.s32 $0x1  }
0x2: {  	[smem:$0x3F9E] =	sst lr;
	_ =	strace $0xD0000000  }
0x3: {  	_ = 	snop  }
0x4: {  	_ = 	snop  }
0x5: {  	_ = 	snop  }
0x6: {  	_ = 	snop  }
0x7: {  	_ = 	snop  }
__scs_overlays_trampoline_lowered:
0x8: {  	[smem:$0x3FAD] =	sst s0  }
0x9: {  	[smem:$0x3FAE] =	sst s1  }
0xa: {  	[smem:$0x3FAF] =	sst s2  }
0xb: {  	[smem:$0x3FB0] =	sst s3  }
0xc: {  	[smem:$0x3FB1] =	sst s4  }
0xd: {  	[smem:$0x3FB2] =	sst s5  }
0xe: {  	[smem:$0x3FB3] =	sst s6  }
0xf: {  	[smem:$0x3FB4] =	sst s7  }
0x10: {  	[smem:$0x3FB5] =	sst s8  }
0x11: {  	[smem:$0x3FB6] =	sst s9;
	s0 =	simm.s32 @!p0 $0x0  }
0x12: {  	s1 =	sld [smem:$0x3F9C];
	s0 =	simm.s32 @p0 $0x1  }
0x13: {  	[smem:$0x3FB7] =	sst s0;
	s0 =	simm.s32 @!p1 $0x0  }
0x14: {  	s2 =	sld [smem:$0x3F9B];
	s0 =	simm.s32 @p1 $0x1  }
0x15: {  	[smem:$0x3FB8] =	sst s0;
	s0 =	simm.s32 @!p2 $0x0  }
0x16: {  	s3 =	sld [smem:$0x3FDB];
	s0 =	simm.s32 @p2 $0x1  }
0x17: {  	s4 =	simm.s32 $0x1BF5;
	[smem:$0x3FBA] =	sst s0  }
0x18: {  	s0 =	sld [smem:$0x3F9D];
	_ =	swait.ge [sflag:s4], $0x0  }
0x19: {  	s7 =	sld [smem:$0x3F9E]  }
0x1a: {  	s8 =	sadd.s32 $0xFFFFE003, lr  }
0x1b: {  	s9 =	sadd.s32 $0xFFFFFEF7, lr;
	s5 =	simm.s32 $0xFFFFFFFF;
	p2 =	slt.u32 s8, $0xFFFFF086  }
0x1c: {  	p1 =	slt.u32 s9, $0xF7A;
	s5 =	simm.s32 @!p2 $0x0  }
0x1d: {  	s5 =	simm.s32 @p1 $0x1;
	p0 =	seq.s32 s7, s2  }
0x1e: {  	s7 =	smul.u32 @!p0 $0xF7A, s2;
	p2 =	seq.s32 @!p0 s5, $0x0  }
0x1f: {  	s9 =	smul.u32 $0xF7A, s1;
	s8 =	simm.s32 @!p0 $0x1BF5;
	p2 =	por !p2, p0  }
0x20: {  	[sflag:s8] =	ssyncset.s32 @!p0 $0xFFFFF086;
	s6 =	sadd.s32 @!p0 s3, s7;
	s7 =	simm.s32 @!p0 $0x108  }
0x21: {  	s3 =	sadd.s32 s3, s9;
	s6 =	sadd.s32 @!p0 $0x88, s6;
	s7 =	simm.s32 @p2 $0x1082  }
0x22: {  	[simem:s7], [sflag:s8] =	dma.local @!p0 [hbm:s6], $0xF7A  }
0x23: {  	s9 =	sor.u32 $0xD0000000, s2;
	s6 =	simm.s32 $0x108;
	_ =	swait.ge @!p0 [sflag:s8], $0x0  }
0x24: {  	s3 =	sadd.s32 $0x88, s3;
	s6 =	simm.s32 @!p1 $0x1082;
	[sflag:s4] =	ssyncset.s32 $0xFFFFF086  }
0x25: {  	[simem:s6], [sflag:s4] =	dma.local [hbm:s3], $0xF7A  }
0x26: {  	[smem:$0x3F9E] =	sst s1;
	(tag) =	ssettag s2;
	_ =	strace s9  }
0x27: {  	s1 =	sld [smem:$0x3FAE]  }
0x28: {  	s2 =	sld [smem:$0x3FAF]  }
0x29: {  	s4 =	sld [smem:$0x3FB1]  }
0x2a: {  	p0 =	seq.s32 s5, $0x0;
	s5 =	sld [smem:$0x3FB2]  }
0x2b: {  	s6 =	sld [smem:$0x3FB3]  }
0x2c: {  	s7 =	sld [smem:$0x3FB4]  }
0x2d: {  	s3 =	simm.s32 $0x108;
	s8 =	sld [smem:$0x3FB5]  }
0x2e: {  	s3 =	simm.s32 @!p0 $0x1082;
	s9 =	sld [smem:$0x3FB6]  }
0x2f: {  	lr =	sadd.s32 s0, s3;
	s0 =	sld [smem:$0x3FAD]  }
0x30: {  	s3 =	sld [smem:$0x3FB0]  }
0x31: {  	[smem:$0x3FB9] =	sst s10  }
0x32: {  	s10 =	sld [smem:$0x3FB7];
	_ =	sdelay $0x3  }
0x33: {  	p0 =	seq.s32 s10, $0x1;
	s10 =	sld [smem:$0x3FB9];
	_ =	sdelay $0x3  }
0x34: {  	[smem:$0x3FB9] =	sst s10  }
0x35: {  	s10 =	sld [smem:$0x3FB8];
	_ =	sdelay $0x3  }
0x36: {  	p1 =	seq.s32 s10, $0x1;
	s10 =	sld [smem:$0x3FB9];
	_ =	sdelay $0x3  }
0x37: {  	[smem:$0x3FB9] =	sst s10  }
0x38: {  	s10 =	sld [smem:$0x3FBA]  }
0x39: {  	_ = 	snop;
	(pc) =	sbr.ind lr, $3  }
0x3a: {  	_ = 	snop  }
0x3b: {  	_ = 	snop  }
0x3c: {  	p2 =	seq.s32 s10, $0x1;
	s10 =	sld [smem:$0x3FB9]  }
0x3d: {  	_ =	shalt  }
0x3e: {  	_ =	shalt  }
0x3f: {  	_ =	shalt  }
0x40: {  	_ =	shalt  }
0x41: {  	_ =	shalt  }
0x42: {  	_ =	shalt  }
0x43: {  	_ =	shalt  }
0x44: {  	_ =	shalt  }
0x45: {  	_ =	shalt  }
0x46: {  	_ =	shalt  }
0x47: {  	_ =	shalt  }
0x48: {  	_ =	shalt  }
0x49: {  	_ =	shalt  }
0x4a: {  	_ =	shalt  }
0x4b: {  	_ =	shalt  }
0x4c: {  	_ =	shalt  }
0x4d: {  	_ =	shalt  }
0x4e: {  	_ =	shalt  }
0x4f: {  	_ =	shalt  }
0x50: {  	_ =	shalt  }
0x51: {  	_ =	shalt  }
0x52: {  	_ =	shalt  }
0x53: {  	_ =	shalt  }
0x54: {  	_ =	shalt  }
0x55: {  	_ =	shalt  }
0x56: {  	_ =	shalt  }
0x57: {  	_ =	shalt  }
0x58: {  	_ =	shalt  }
0x59: {  	_ =	shalt  }
0x5a: {  	_ =	shalt  }
0x5b: {  	_ =	shalt  }
0x5c: {  	_ =	shalt  }
0x5d: {  	_ =	shalt  }
0x5e: {  	_ =	shalt  }
0x5f: {  	_ =	shalt  }
0x60: {  	_ =	shalt  }
0x61: {  	_ =	shalt  }
0x62: {  	_ =	shalt  }
0x63: {  	_ =	shalt  }
0x64: {  	_ =	shalt  }
0x65: {  	_ =	shalt  }
0x66: {  	_ =	shalt  }
0x67: {  	_ =	shalt  }
0x68: {  	_ =	shalt  }
0x69: {  	_ =	shalt  }
0x6a: {  	_ =	shalt  }
0x6b: {  	_ =	shalt  }
0x6c: {  	_ =	shalt  }
0x6d: {  	_ =	shalt  }
0x6e: {  	_ =	shalt  }
0x6f: {  	_ =	shalt  }
0x70: {  	_ =	shalt  }
0x71: {  	_ =	shalt  }
0x72: {  	_ =	shalt  }
0x73: {  	_ =	shalt  }
0x74: {  	_ =	shalt  }
0x75: {  	_ =	shalt  }
0x76: {  	_ =	shalt  }
0x77: {  	_ =	shalt  }
0x78: {  	_ =	shalt  }
0x79: {  	_ =	shalt  }
0x7a: {  	_ =	shalt  }
0x7b: {  	_ =	shalt  }
0x7c: {  	_ =	shalt  }
0x7d: {  	_ =	shalt  }
0x7e: {  	_ =	shalt  }
0x7f: {  	_ =	shalt  }
0x80: {  	_ =	shalt  }
0x81: {  	_ =	shalt  }
0x82: {  	_ =	shalt  }
0x83: {  	_ =	shalt  }
0x84: {  	_ =	shalt  }
0x85: {  	_ =	shalt  }
0x86: {  	_ =	shalt  }
0x87: {  	_ =	shalt  }
.Lfunc_end0:
.L_simem_size_0:
called_computation_lowered:
.L_overlay_start_0:
0x88: {  	s2 =	sld [smem:$0x3FD9]  }
0x89: {  	s3 =	sld [smem:$0x3FFE];
	_ =	sdelay $0x1  }
0x8a: {  	s1 =	srdreg.scid  }
0x8b: {  	s0 =	sand.u32 $0x1, s1  }
0x8c: {  	s17 =	sshll.u32 s0, $0xA;
	s2 =	sadd.s32 s3, s2  }
0x8d: {  	s2 =	sadd.s32 s2, s17  }
0x8e: {  	[smem:$0x3FC5] =	sst s2  }
0x8f: {  	_ = 	snop  }
0x90: {  	s2 =	sld [smem:$0x3FC9]  }
0x91: {  	s18 =	sld [smem:$0x3FD0];
	(tm) =	ssettm $0x1  }
0x92: {  	s4 =	sld [smem:$0x3FFB];
	_ =	sdelay $0x3  }
0x93: {  	_ =	strace s4  }
0x94: {  	s4 =	sld [smem:$0x3FFC];
	_ =	sdelay $0x3  }
0x95: {  	_ =	strace s4  }
0x96: {  	s4 =	sld [smem:$0x3FFD];
	_ =	sdelay $0x3  }
0x97: {  	_ =	strace s4  }
0x98: {  	_ =	strace $0x8FFFFFFF  }
0x99: {  	s19 =	sld [smem:$0x3FDB];
	_ =	sdelay $0x1  }
0x9a: {  	s5 =	simm.s32 $_scs_section_size  }
0x9b: {  	s6 =	simm.s32 $_size__tile_overlayer_lowered;
	s7 =	simm.s32 $_tile_overlayer_lowered  }
0x9c: {  	s22 =	simm.s32 $0x1BFF;
	s21 =	sshll.u32 s7, $0x1;
	s4 =	sadd.s32 s5, s19  }
0x9d: {  	s8 =	simm.s32 $0x0;
	s20 =	sshll.u32 s6, $0x1;
	s6 =	sadd.s32 s21, s4  }
0x9e: {  	[timem:s8], [sflag:s22] =	dma.local [hbm:s6], s20  }
0x9f: {  	_ =	swait.ge [sflag:s22], s20  }
0xa0: {  	s5 =	ssub.s32 $0x0, s20;
	[sflag:s22] =	ssyncset.done $0x0  }
0xa1: {  	[sflag:s22] =	ssyncadd.s32 s5;
	_ =	sdelay $0x1  }
0xa2: {  	s23 =	simm.s32 $0x1B8B  }
0xa3: {  	_ =	swait.ge [sflag:s23], $0x1  }
0xa4: {  	[sflag:s23] =	ssyncset.done $0x0  }
0xa5: {  	s25 =	simm.s32 $0x1B8E;
	s24 =	sld [smem:$0x3FFE];
	[sflag:s23] =	ssyncadd.s32 $0xFFFFFFFF  }
0xa6: {  	s26 =	simm.s32 $execute0_lowered;
	[smem:$0x3FD2] =	sst s25  }
0xa7: {  	s6 =	sshll.u32 s26, $0x1;
	_ =	strace $0x80000046;
	[dreg:$0x1] =	wrdreg $0xFFFFFFFF  }
0xa8: {  	s28 =	simm.s32 $_size_execute0_lowered;
	s4 =	sadd.s32 s4, s6;
	[dreg:$0x0] =	wrdreg $0x0  }
0xa9: {  	s6 =	sshll.u32 s28, $0x1;
	[dreg:$0x2] =	wrdreg s4  }
0xaa: {  	[dreg:$0x3] =	wrdreg s6  }
0xab: {  	[dreg:$0x4] =	wrdreg $0xC0  }
0xac: {  	_ =	task [dreg:s8], $0x5FFFF  }
0xad: {  	[dreg:$0x1] =	wrdreg $0xFFFFFFFF  }
0xae: {  	[dreg:$0x0] =	wrdreg $0x60  }
0xaf: {  	[dreg:$0x2] =	wrdreg s2  }
0xb0: {  	[dreg:$0x3] =	wrdreg s24  }
0xb1: {  	[dreg:$0x4] =	wrdreg s18  }
0xb2: {  	[dreg:$0x5] =	wrdreg $0x0  }
0xb3: {  	[dreg:$0x6] =	wrdreg $0x18800  }
0xb4: {  	[dreg:$0x7] =	wrdreg $0x9  }
0xb5: {  	_ =	task.clear_ibuf [dreg:s8], $0x8FFFF;
	_ =	strace $0x90000046  }
0xb6: {  	s29 =	simm.s32 $0x9;
	_ =	strace $0x80000048  }
0xb7: {  	_ =	swait.ge [sflag:s29], $0x1  }
0xb8: {  	[sflag:s29] =	ssyncadd.s32 $0xFFFFFFFF  }
0xb9: {  	_ =	strace $0x90000048  }
0xba: {  	_ =	sfence  }
0xbb: {  	s30 =	sld [smem:$0x0];
	_ =	sdelay $0x2  }
0xbc: {  	s31 =	sshll.u32 s1, $0xD;
	s1 =	sshrl.u32 s1, $0x2  }
0xbd: {  	s3 =	sand.u32 $0x4000, s31;
	s1 =	sadd.s32 s1, s30  }
0xbe: {  	s0 =	sor.u32 s3, s0;
	s1 =	sshll.u32 s1, $0x11  }
0xbf: {  	s0 =	sor.u32 s1, s0  }
0xc0: {  	s0 =	sadd.s32 $0x8F2B, s0  }
0xc1: {  	[sflag:s0] =	ssyncadd.remote.s32 $0x1  }
0xc2: {  	_ =	sfence.sel $0xFFFF  }
0xc3: {  	[dreg:$0x0] =	wrdreg $0xFFFFFFFF;
	(pc) =	sbr.abs _section_cstart, $3  }
0xc4: {  	[dreg:$0x1] =	wrdreg $0xFFFFFFFF  }
0xc5: {  	_ =	task.clear_ibuf [dreg:s8], $0x2FFFF;
	_ =	strace $0x9FFFFFFF  }
0xc6: {  	(tm) =	ssettm $0x7FFFFFFF  }
0xc7: {  	_ =	shalt  }
tec
execute0_lowered:
.L_overlay_start_1:
0x0: {  	(tag) =	ssettag $0x1  }
0x1: {  	s1 =	rddreg [dreg:$0x0]  }
0x2: {  	s2 =	rddreg [dreg:$0x1]  }
0x3: {  	s10 =	rddreg [dreg:$0x2]  }
0x4: {  	s0 =	rddreg [dreg:$0x3]  }
0x5: {  	s3 =	srdreg.scid;
	s15 =	stileid.u32  }
0x6: {  	s12 =	rddreg [dreg:$0x4];
	s13 =	simm.s32 $0x4;
	s14 =	simm.s32 $0x1C90  }
0x7: {  	s16 =	simm.s32 $0x80;
	s17 =	simm.s32 $0x1D10;
	s20 =	simm.s32 $0x1D90  }
0x8: {  	s28 =	simm.s32 $0x1;
	s29 =	simm.s32 $0x3;
	s30 =	simm.s32 $0x2  }
0x9: {  	s31 =	simm.s32 $0x13D10;
	s8 =	sand.u32 $0x1, s3;
	s4 =	sshll.u32 s15, $0x1  }
0xa: {  	s3 =	simm.s32 $0x0;
	s7 =	smul.u32 $0x6200, s15;
	s23 =	sshll.u32 s15, $0x7  }
0xb: {  	s25 =	sshll.u32 s15, $0x4;
	p0 =	sne.s32 s15, $0x0;
	s5 =	sor.u32 s8, s4  }
0xc: {  	[smem:$0x7FF] =	sst s3;
	s6 =	ssub.s32 $0x2, s8;
	s26 =	sshll.u32 s8, $0x1  }
0xd: {  	s4 =	sshll.u32 s5, $0xC;
	_ =	strace $0x80000047;
	s22 =	sshrl.u32 s6, $0x1  }
0xe: {  	s11 =	sshll.u32 s5, $0x6;
	s5 =	sadd.s32 s1, s23;
	s24 =	sshrl.u32 s7, $0x2  }
0xf: {  	s10 =	sadd.s32 s10, s26;
	s23 =	simm.s32 $0x1E10;
	s26 =	simm.s32 $0xBB10  }
0x10: {  	s9 =	sadd.s32 s4, s2;
	s4 =	sadd.s32 $0x186C00, s2;
	s2 =	ssub.s32 s6, s22  }
0x11: {  	s6 =	sadd.s32 s1, s11;
	s7 =	sadd.s32 s24, s0;
	s24 =	simm.s32 $0x9B10  }
0x12: {  	s1 =	simm.s32 $0x13F10;
	s8 =	sadd.s32 $0x200, s9;
	s9 =	sadd.s32 s25, s12  }
0x13: {  	v0 =	vimm.f32 $0.0e+00;
	v1 =	vimm.f32 $1.000000000e+00;
	s11 =	smax.u32 s2, $0x1;
	s12 =	simm.s32 $0x1890;
	s25 =	simm.s32 $0x13C90  }
.LBB2_1:
0x14: {  	s2 =	simm.s32 $0x40;
	s15 =	simm.s32 $0x0  }
.LBB2_2:
0x15: {  	p1 =	sne.s32 s2, $0x61C0;
	[tilespmem:s15+$0x2290] =	vst v0;
	s15 =	smov.u32 s2;
	s2 =	sadd.s32 $0x40, s2  }
.Ltmp0:
0x16: {  	(pc) =	sbr.rel @p1 .LBB2_2-.Ltmp0, $2  }
0x17: {  	_ =	sdelay $0x2  }
0x18: {  	s15 =	sshra.s32 s15, $0x2  }
0x19: {  	[tilespmem:s15+$0x2290] =	vst v0  }
0x1a: {  	[tilespmem:$0x1E90] =	vst v1  }
0x1b: {  	[tilespmem:$0x1EA0] =	vst v1  }
0x1c: {  	[tilespmem:$0x1EB0] =	vst v1  }
0x1d: {  	[tilespmem:$0x1EC0] =	vst v1  }
0x1e: {  	[tilespmem:$0x1ED0] =	vst v1  }
0x1f: {  	[tilespmem:$0x1EE0] =	vst v1  }
0x20: {  	[tilespmem:$0x1EF0] =	vst v1  }
0x21: {  	[tilespmem:$0x1F00] =	vst v1  }
0x22: {  	[tilespmem:$0x1F10] =	vst v1  }
0x23: {  	[tilespmem:$0x1F20] =	vst v1  }
0x24: {  	[tilespmem:$0x1F30] =	vst v1  }
0x25: {  	[tilespmem:$0x1F40] =	vst v1  }
0x26: {  	[tilespmem:$0x1F50] =	vst v1  }
0x27: {  	[tilespmem:$0x1F60] =	vst v1  }
0x28: {  	[tilespmem:$0x1F70] =	vst v1  }
0x29: {  	[tilespmem:$0x1F80] =	vst v1  }
0x2a: {  	[tilespmem:$0x1F90] =	vst v1  }
0x2b: {  	[tilespmem:$0x1FA0] =	vst v1  }
0x2c: {  	[tilespmem:$0x1FB0] =	vst v1  }
0x2d: {  	[tilespmem:$0x1FC0] =	vst v1  }
0x2e: {  	[tilespmem:$0x1FD0] =	vst v1  }
0x2f: {  	[tilespmem:$0x1FE0] =	vst v1  }
0x30: {  	[tilespmem:$0x1FF0] =	vst v1  }
0x31: {  	[tilespmem:$0x2000] =	vst v1  }
0x32: {  	[tilespmem:$0x2010] =	vst v1  }
0x33: {  	[tilespmem:$0x2020] =	vst v1  }
0x34: {  	[tilespmem:$0x2030] =	vst v1  }
0x35: {  	[tilespmem:$0x2040] =	vst v1  }
0x36: {  	[tilespmem:$0x2050] =	vst v1  }
0x37: {  	[tilespmem:$0x2060] =	vst v1  }
0x38: {  	[tilespmem:$0x2070] =	vst v1  }
0x39: {  	[tilespmem:$0x2080] =	vst v1  }
0x3a: {  	[tilespmem:$0x2090] =	vst v1  }
0x3b: {  	[tilespmem:$0x20A0] =	vst v1  }
0x3c: {  	[tilespmem:$0x20B0] =	vst v1  }
0x3d: {  	[tilespmem:$0x20C0] =	vst v1  }
0x3e: {  	[tilespmem:$0x20D0] =	vst v1  }
0x3f: {  	[tilespmem:$0x20E0] =	vst v1  }
0x40: {  	[tilespmem:$0x20F0] =	vst v1  }
0x41: {  	[tilespmem:$0x2100] =	vst v1  }
0x42: {  	[tilespmem:$0x2110] =	vst v1  }
0x43: {  	[tilespmem:$0x2120] =	vst v1  }
0x44: {  	[tilespmem:$0x2130] =	vst v1  }
0x45: {  	[tilespmem:$0x2140] =	vst v1  }
0x46: {  	[tilespmem:$0x2150] =	vst v1  }
0x47: {  	[tilespmem:$0x2160] =	vst v1  }
0x48: {  	[tilespmem:$0x2170] =	vst v1  }
0x49: {  	[tilespmem:$0x2180] =	vst v1  }
0x4a: {  	[tilespmem:$0x2190] =	vst v1  }
0x4b: {  	[tilespmem:$0x21A0] =	vst v1  }
0x4c: {  	[tilespmem:$0x21B0] =	vst v1  }
0x4d: {  	[tilespmem:$0x21C0] =	vst v1  }
0x4e: {  	[tilespmem:$0x21D0] =	vst v1  }
0x4f: {  	[tilespmem:$0x21E0] =	vst v1  }
0x50: {  	[tilespmem:$0x21F0] =	vst v1  }
0x51: {  	[tilespmem:$0x2200] =	vst v1  }
0x52: {  	[tilespmem:$0x2210] =	vst v1  }
0x53: {  	[tilespmem:$0x2220] =	vst v1  }
0x54: {  	[tilespmem:$0x2230] =	vst v1  }
0x55: {  	[tilespmem:$0x2240] =	vst v1  }
0x56: {  	[tilespmem:$0x2250] =	vst v1  }
0x57: {  	[tilespmem:$0x2260] =	vst v1  }
0x58: {  	[tilespmem:$0x2270] =	vst v1  }
0x59: {  	s2 =	simm.s32 $0x0;
	[tilespmem:$0x2280] =	vst v1  }
0x5a: {  	[tilespmem:s12], [sflag:$0x4] =	stream.linear.gather [hbm4b:s5+s2], $0x400, $0x38;
	[tilespmem:$0x14020] =	vst v63  }
0x5b: {  	_ =	swait.ge [sflag:s13], $0x400  }
0x5c: {  	[sflag:s13] =	ssyncset.done $0x0  }
0x5d: {  	[sflag:s13] =	ssyncadd.s32 $0xFFFFFC00  }
0x5e: {  	[tilespmem:s14], [sflag:$0x4] =	stream.linear.gather [hbm4b:s6+s2], $0x200, $0x38;
	[tilespmem:$0x14020] =	vst v63  }
0x5f: {  	_ =	swait.ge [sflag:s13], $0x200  }
0x60: {  	[sflag:s13] =	ssyncset.done $0x0  }
0x61: {  	s22 =	simm.s32 $0x2290;
	[sflag:s13] =	ssyncadd.s32 $0xFFFFFE00  }
0x62: {  	[spmem:s7] =	stream.linear.scatter [tilespmem:s22], [sflag:$0x4], $0x1880, $0x38;
	[tilespmem:$0x14020] =	vst v63  }
0x63: {  	_ =	swait.ge [sflag:s13], $0x1880  }
0x64: {  	[sflag:s13] =	ssyncset.done $0x0  }
0x65: {  	[sflag:s13] =	ssyncadd.s32 $0xFFFFE780  }
0x66: {  	s18 =	simm.s32 $0x1E90;
	[bflag:$0x0] =	sbarrier.arrive $0xFFFF  }
0x67: {  	[spmem:s0] =	stream.indirect.scatter.add.f32 [tilespmem:s18], [sflag:$0x4], $0x1, s12, s16, $0xb8;
	[tilespmem:$0x14020] =	vst v63  }
0x68: {  	_ =	swait.ge [sflag:s13], $0x80  }
0x69: {  	[sflag:s13] =	ssyncset.done $0x0  }
0x6a: {  	s19 =	simm.s32 $0x1910;
	s18 =	simm.s32 $0x1F10;
	[sflag:s13] =	ssyncadd.s32 $0xFFFFFF80  }
0x6b: {  	[spmem:s0] =	stream.indirect.scatter.add.f32 [tilespmem:s18], [sflag:$0x4], $0x1, s19, s16, $0xb8;
	[tilespmem:$0x14020] =	vst v63  }
0x6c: {  	_ =	swait.ge [sflag:s13], $0x80  }
0x6d: {  	[sflag:s13] =	ssyncset.done $0x0  }
0x6e: {  	s21 =	simm.s32 $0x1990;
	s22 =	simm.s32 $0x1F90;
	[sflag:s13] =	ssyncadd.s32 $0xFFFFFF80  }
0x6f: {  	[spmem:s0] =	stream.indirect.scatter.add.f32 [tilespmem:s22], [sflag:$0x4], $0x1, s21, s16, $0xb8;
	[tilespmem:$0x14020] =	vst v63  }
0x70: {  	_ =	swait.ge [sflag:s13], $0x80  }
0x71: {  	[sflag:s13] =	ssyncset.done $0x0  }
0x72: {  	s18 =	simm.s32 $0x1A10;
	s19 =	simm.s32 $0x2010;
	[sflag:s13] =	ssyncadd.s32 $0xFFFFFF80  }
0x73: {  	[spmem:s0] =	stream.indirect.scatter.add.f32 [tilespmem:s19], [sflag:$0x4], $0x1, s18, s16, $0xb8;
	[tilespmem:$0x14020] =	vst v63  }
0x74: {  	_ =	swait.ge [sflag:s13], $0x80  }
0x75: {  	[sflag:s13] =	ssyncset.done $0x0  }
0x76: {  	s21 =	simm.s32 $0x1A90;
	s22 =	simm.s32 $0x2090;
	[sflag:s13] =	ssyncadd.s32 $0xFFFFFF80  }
0x77: {  	[spmem:s0] =	stream.indirect.scatter.add.f32 [tilespmem:s22], [sflag:$0x4], $0x1, s21, s16, $0xb8;
	[tilespmem:$0x14020] =	vst v63  }
0x78: {  	_ =	swait.ge [sflag:s13], $0x80  }
0x79: {  	[sflag:s13] =	ssyncset.done $0x0  }
0x7a: {  	s18 =	simm.s32 $0x1B10;
	s19 =	simm.s32 $0x2110;
	[sflag:s13] =	ssyncadd.s32 $0xFFFFFF80  }
0x7b: {  	[spmem:s0] =	stream.indirect.scatter.add.f32 [tilespmem:s19], [sflag:$0x4], $0x1, s18, s16, $0xb8;
	[tilespmem:$0x14020] =	vst v63  }
0x7c: {  	_ =	swait.ge [sflag:s13], $0x80  }
0x7d: {  	[sflag:s13] =	ssyncset.done $0x0  }
0x7e: {  	s21 =	simm.s32 $0x1B90;
	s22 =	simm.s32 $0x2190;
	[sflag:s13] =	ssyncadd.s32 $0xFFFFFF80  }
0x7f: {  	[spmem:s0] =	stream.indirect.scatter.add.f32 [tilespmem:s22], [sflag:$0x4], $0x1, s21, s16, $0xb8;
	[tilespmem:$0x14020] =	vst v63  }
0x80: {  	_ =	swait.ge [sflag:s13], $0x80  }
0x81: {  	[sflag:s13] =	ssyncset.done $0x0  }
0x82: {  	s18 =	simm.s32 $0x1C10;
	s19 =	simm.s32 $0x2210;
	[sflag:s13] =	ssyncadd.s32 $0xFFFFFF80  }
0x83: {  	[spmem:s0] =	stream.indirect.scatter.add.f32 [tilespmem:s19], [sflag:$0x4], $0x1, s18, s16, $0xb8;
	[tilespmem:$0x14020] =	vst v63  }
0x84: {  	_ =	swait.ge [sflag:s13], $0x80  }
0x85: {  	[sflag:s13] =	ssyncset.done $0x0  }
0x86: {  	[sflag:s13] =	ssyncadd.s32 $0xFFFFFF80  }
0x87: {  	s21 =	simm.s32 $0x3B10;
	[bflag:$0x0] =	sbarrier.arrive $0xFFFF  }
0x88: {  	[tilespmem:s21], [sflag:$0x1] =	stream.indirect.gather [hbm4b:s4+s16], $0x40, s14, s16, $0xb8;
	[tilespmem:$0x14020] =	vst v63  }
0x89: {  	s22 =	simm.s32 $0x13B10  }
0x8a: {  	[tilespmem:s22], [sflag:$0x3] =	stream.indirect.gather [spmem:s0], $0x1, s14, s16, $0xb8;
	[tilespmem:$0x14020] =	vst v63  }
0x8b: {  	s18 =	simm.s32 $0x5B10  }
0x8c: {  	[tilespmem:s18], [sflag:$0x1] =	stream.indirect.gather [hbm4b:s4+s16], $0x40, s17, s16, $0xb8;
	[tilespmem:$0x14020] =	vst v63  }
0x8d: {  	s19 =	simm.s32 $0x13B90  }
0x8e: {  	[tilespmem:s19], [sflag:$0x3] =	stream.indirect.gather [spmem:s0], $0x1, s17, s16, $0xb8;
	[tilespmem:$0x14020] =	vst v63  }
0x8f: {  	s21 =	simm.s32 $0x7B10  }
0x90: {  	[tilespmem:s21], [sflag:$0x1] =	stream.indirect.gather [hbm4b:s4+s16], $0x40, s20, s16, $0xb8;
	[tilespmem:$0x14020] =	vst v63  }
0x91: {  	s22 =	simm.s32 $0x13C10  }
0x92: {  	[tilespmem:s22], [sflag:$0x3] =	stream.indirect.gather [spmem:s0], $0x1, s20, s16, $0xb8;
	[tilespmem:$0x14020] =	vst v63  }
0x93: {  	_ = 	snop  }
0x94: {  	[tilespmem:s24], [sflag:$0x1] =	stream.indirect.gather [hbm4b:s4+s16], $0x40, s23, s16, $0xb8;
	[tilespmem:$0x14020] =	vst v63  }
0x95: {  	_ = 	snop  }
0x96: {  	[tilespmem:s25], [sflag:$0x3] =	stream.indirect.gather [spmem:s0], $0x1, s23, s16, $0xb8;
	[tilespmem:$0x14020] =	vst v63  }
0x97: {  	_ = 	snop  }
0x98: {  	[tilespmem:s26], [sflag:$0x2] =	stream.linear.gather [hbm4b:s8+s2], $0x8000, $0x38;
	[tilespmem:$0x14020] =	vst v63  }
0x99: {  	_ =	swait.ge [sflag:s28], $0x2000  }
0x9a: {  	[sflag:s28] =	ssyncset.done $0x0  }
0x9b: {  	[sflag:s28] =	ssyncadd.s32 $0xFFFFE000  }
0x9c: {  	_ =	swait.ge [sflag:s29], $0x80  }
0x9d: {  	[sflag:s29] =	ssyncset.done $0x0  }
0x9e: {  	[sflag:s29] =	ssyncadd.s32 $0xFFFFFF80  }
0x9f: {  	_ =	swait.ge [sflag:s28], $0x2000  }
0xa0: {  	[sflag:s28] =	ssyncset.done $0x0  }
0xa1: {  	[sflag:s28] =	ssyncadd.s32 $0xFFFFE000  }
0xa2: {  	_ =	swait.ge [sflag:s29], $0x80  }
0xa3: {  	[sflag:s29] =	ssyncset.done $0x0  }
0xa4: {  	[sflag:s29] =	ssyncadd.s32 $0xFFFFFF80  }
0xa5: {  	_ =	swait.ge [sflag:s28], $0x2000  }
0xa6: {  	[sflag:s28] =	ssyncset.done $0x0  }
0xa7: {  	[sflag:s28] =	ssyncadd.s32 $0xFFFFE000  }
0xa8: {  	_ =	swait.ge [sflag:s29], $0x80  }
0xa9: {  	[sflag:s29] =	ssyncset.done $0x0  }
0xaa: {  	[sflag:s29] =	ssyncadd.s32 $0xFFFFFF80  }
0xab: {  	_ =	swait.ge [sflag:s28], $0x2000  }
0xac: {  	[sflag:s28] =	ssyncset.done $0x0  }
0xad: {  	[sflag:s28] =	ssyncadd.s32 $0xFFFFE000  }
0xae: {  	_ =	swait.ge [sflag:s29], $0x80  }
0xaf: {  	[sflag:s29] =	ssyncset.done $0x0  }
0xb0: {  	[sflag:s29] =	ssyncadd.s32 $0xFFFFFF80  }
0xb1: {  	_ =	swait.ge [sflag:s30], $0x8000  }
0xb2: {  	[sflag:s30] =	ssyncset.done $0x0  }
0xb3: {  	s18 =	simm.s32 $0x0;
	[sflag:s30] =	ssyncadd.s32 $0xFFFF8000  }
0xb4: {  	v2 =	vld [tilespmem:s18+$0x13B10];
	_ =	sdelay $0x4  }
0xb5: {  	v2 =	vadd.f32 $1.000000000e+00, v2  }
0xb6: {  	s15 =	simm.s32 $0x10  }
0xb7: {  	(erf) = vrcp.f32 v2;
	v2 =	vld [tilespmem:s15+$0x13B10];
	_ =	sdelay $0x4  }
0xb8: {  	s19 =	simm.s32 $0x20;
	v3 =	vadd.f32 $1.000000000e+00, v2  }
0xb9: {  	v2 =	vld [tilespmem:s19+$0x13B10]  }
0xba: {  	(erf) = vrcp.f32 v3;
	_ =	sdelay $0x2  }
0xbb: {  	s21 =	simm.s32 $0xC0;
	v3 =	vpop (erf)  }
.LBB2_4:
0xbc: {  	s22 =	sshra.s32 s21, $0x2;
	p1 =	sne.s32 s21, $0x7C0;
	s21 =	sadd.s32 $0x40, s21;
	v4 =	vadd.f32 $1.000000000e+00, v2;
	[tilespmem:s18+$0x13D10] =	vst v3  }
.Ltmp1:
0xbd: {  	s18 =	smov.u32 s15;
	s15 =	smov.u32 s19;
	v2 =	vld [tilespmem:s22+$0x13B10];
	(pc) =	sbr.rel @p1 .LBB2_4-.Ltmp1, $2  }
0xbe: {  	s19 =	smov.u32 s22;
	(erf) = vrcp.f32 v4;
	_ =	sdelay $0x2  }
0xbf: {  	v3 =	vpop (erf)  }
0xc0: {  	v2 =	vadd.f32 $1.000000000e+00, v2;
	_ =	sdelay $0x1  }
0xc1: {  	(erf) = vrcp.f32 v2;
	_ =	sdelay $0x7  }
0xc2: {  	[tilespmem:s18+$0x13D10] =	vst v3;
	v3 =	vmov s2;
	v2 =	vpop (erf)  }
0xc3: {  	[tilespmem:s15+$0x13D10] =	vst v2;
	v2 =	vpop (erf)  }
0xc4: {  	s15 =	simm.s32 $0xBB30;
	[tilespmem:s19+$0x13D10] =	vst v2  }
0xc5: {  	s19 =	simm.s32 $0x3B30;
	v2 =	vld [tilespmem:s15+$0x10]  }
0xc6: {  	v4 =	vld [tilespmem:s19+$0x10]  }
0xc7: {  	v5 =	vld.idx.msk [tilespmem:v3+s31+$0x0], $0xffff  }
0xc8: {  	v3 =	vld [tilespmem:s15+$0xFFFFFFE0]  }
0xc9: {  	v6 =	vld [tilespmem:s19+$0xFFFFFFE0]  }
0xca: {  	v7 =	vld [tilespmem:s15+$0xFFFFFFF0]  }
0xcb: {  	s21 =	simm.s32 $0x1;
	v8 =	vld [tilespmem:s19+$0xFFFFFFF0]  }
0xcc: {  	v9 =	vmov s21;
	v10 =	vld [tilespmem:s15+$0x0]  }
0xcd: {  	s2 =	simm.s32 $0xBB70;
	v12 =	vld [tilespmem:s19+$0x0]  }
0xce: {  	v13 =	vld [tilespmem:s2+$0x10];
	s15 =	simm.s32 $0x3B70  }
0xcf: {  	v17 =	vld [tilespmem:s15+$0x10]  }
0xd0: {  	v2 =	vsub.f32 v2, v4  }
0xd1: {  	v6 =	vsub.f32 v3, v6;
	v3 =	vld.idx.msk [tilespmem:v9+s31+$0x0], $0xffff;
	v9 =	vsub.f32 v7, v8  }
0xd2: {  	v10 =	vsub.f32 v10, v12;
	v4 =	vmul.f32 v2, v5  }
0xd3: {  	v11 =	vld [tilespmem:s15+$0xFFFFFFE0];
	v14 =	vmul.f32 v6, v5;
	v16 =	vmul.f32 v9, v5  }
0xd4: {  	v7 =	vld [tilespmem:s2+$0xFFFFFFE0];
	v12 =	vsub.f32 v13, v17;
	v17 =	vmul.f32 v10, v5;
	v2 =	vmul.f32 v4, v2  }
0xd5: {  	s22 =	simm.s32 $0x2;
	v8 =	vld [tilespmem:s2+$0xFFFFFFF0];
	v5 =	vimm.f32 $0.0e+00;
	v4 =	vimm.f32 $0.0e+00;
	v15 =	vmul.f32 v14, v6  }
0xd6: {  	s18 =	simm.s32 $0x3;
	v13 =	vld [tilespmem:s15+$0xFFFFFFF0];
	v14 =	vmov s22;
	v6 =	vimm.f32 $0.0e+00;
	v2 =	vadd.f32 v2, v4  }
.LBB2_6:
0xd7: {  	p1 =	sne.s32 s18, $0x1FF;
	v18 =	vld [tilespmem:s2+$0x0];
	v4 =	vadd.f32 v15, v4;
	v9 =	vmul.f32 v16, v9  }
0xd8: {  	s2 =	sadd.s32 $0x40, s2;
	v15 =	vld [tilespmem:s15+$0x0];
	v16 =	vmul.f32 v12, v3;
	v10 =	vmul.f32 v17, v10;
	v17 =	vmov v3  }
0xd9: {  	s15 =	sadd.s32 $0x40, s15;
	v19 =	vld [tilespmem:s2+$0x10];
	v20 =	vsub.f32 v7, v11;
	v6 =	vadd.f32 v9, v6  }
0xda: {  	v21 =	vld [tilespmem:s15+$0x10];
	v11 =	vmul.f32 v16, v12;
	v5 =	vadd.f32 v10, v5  }
.Ltmp2:
0xdb: {  	v3 =	vld.idx.msk [tilespmem:v14+s31+$0x0], $0xffff;
	v9 =	vsub.f32 v8, v13;
	v8 =	vmul.f32 v20, v17;
	(pc) =	sbr.rel @p1 .LBB2_6-.Ltmp2, $4  }
0xdc: {  	v7 =	vld [tilespmem:s2+$0xFFFFFFE0];
	v2 =	vadd.f32 v11, v2  }
0xdd: {  	v11 =	vld [tilespmem:s15+$0xFFFFFFE0];
	v10 =	vsub.f32 v18, v15;
	v15 =	vmul.f32 v8, v20;
	v16 =	vmul.f32 v9, v17  }
0xde: {  	v8 =	vld [tilespmem:s2+$0xFFFFFFF0]  }
0xdf: {  	v14 =	vmov s18;
	s18 =	sadd.s32 $0x1, s18;
	v13 =	vld [tilespmem:s15+$0xFFFFFFF0];
	v12 =	vsub.f32 v19, v21;
	v17 =	vmul.f32 v10, v17  }
0xe0: {  	_ =	sdelay $0x1  }
0xe1: {  	v18 =	vld [tilespmem:s2+$0x0]  }
0xe2: {  	v19 =	vld [tilespmem:s15+$0x0]  }
0xe3: {  	s21 =	sadd.s32 $0x40, s2;
	v14 =	vld.idx.msk [tilespmem:v14+s31+$0x0], $0xffff  }
0xe4: {  	s22 =	sadd.s32 $0x40, s15;
	v20 =	vld [tilespmem:s21+$0x10]  }
0xe5: {  	v21 =	vld [tilespmem:s22+$0x10]  }
0xe6: {  	v22 =	vld [tilespmem:s21+$0xFFFFFFE0]  }
0xe7: {  	v23 =	vld [tilespmem:s22+$0xFFFFFFE0]  }
0xe8: {  	v24 =	vld [tilespmem:s21+$0xFFFFFFF0]  }
0xe9: {  	v25 =	vld [tilespmem:s22+$0xFFFFFFF0]  }
0xea: {  	v9 =	vmul.f32 v16, v9;
	v48 =	vld [tilespmem:s21+$0x0];
	v7 =	vsub.f32 v7, v11  }
0xeb: {  	v4 =	vadd.f32 v15, v4;
	v49 =	vmul.f32 v12, v3;
	v50 =	vld [tilespmem:s22+$0x0];
	v10 =	vmul.f32 v17, v10  }
0xec: {  	v6 =	vadd.f32 v9, v6;
	v8 =	vsub.f32 v8, v13;
	v51 =	vmul.f32 v7, v3  }
0xed: {  	v12 =	vmul.f32 v49, v12;
	v5 =	vadd.f32 v10, v5;
	v52 =	vsub.f32 v18, v19  }
0xee: {  	v53 =	vmul.f32 v8, v3;
	v7 =	vmul.f32 v51, v7;
	v54 =	vsub.f32 v20, v21  }
0xef: {  	v55 =	vsub.f32 v22, v23;
	v57 =	vsub.f32 v24, v25;
	v3 =	vmul.f32 v52, v3  }
0xf0: {  	v11 =	vsub.f32 v48, v50;
	v8 =	vmul.f32 v53, v8;
	v56 =	vmul.f32 v54, v14  }
0xf1: {  	v2 =	vadd.f32 v12, v2;
	v58 =	vmul.f32 v55, v14;
	v59 =	vmul.f32 v57, v14  }
0xf2: {  	v4 =	vadd.f32 v7, v4;
	v13 =	vmul.f32 v11, v14;
	v3 =	vmul.f32 v3, v52  }
0xf3: {  	v6 =	vadd.f32 v8, v6;
	v60 =	vmul.f32 v56, v54;
	v61 =	vmul.f32 v58, v55  }
0xf4: {  	v62 =	vmul.f32 v59, v57;
	v63 =	vmul.f32 v13, v11;
	v3 =	vadd.f32 v3, v5  }
0xf5: {  	v2 =	vadd.f32 v60, v2;
	v4 =	vadd.f32 v61, v4  }
0xf6: {  	v5 =	vadd.f32 v62, v6;
	v3 =	vadd.f32 v63, v3;
	_ =	sdelay $0x1  }
0xf7: {  	v4 =	vadd.f32 v5, v4;
	v2 =	vadd.f32 v2, v3;
	_ =	sdelay $0x1  }
0xf8: {  	v2 =	vadd.f32 v2, v4;
	_ =	sdelay $0x1  }
0xf9: {  	[tilespmem:$0x13F10] =	vst v2  }
0xfa: {  	[spmem:s9] =	stream.linear.scatter [tilespmem:s1], [sflag:$0x4], $0x10, $0x38;
	[tilespmem:$0x14020] =	vst v63  }
0xfb: {  	_ =	swait.ge [sflag:s13], $0x10  }
0xfc: {  	[sflag:s13] =	ssyncset.done $0x0  }
0xfd: {  	[sflag:s13] =	ssyncadd.s32 $0xFFFFFFF0  }
0xfe: {  	[bflag:$0x0] =	sbarrier.arrive $0xFFFF  }
0xff: {  	s2 =	simm.s32 @!p0 $0x13F20;
	s15 =	rddreg [dreg:$0x4]  }
0x100: {  	[tilespmem:s2], [sflag:$0x4] =	stream.linear.gather @!p0 [spmem:s15], $0x100, $0x38;
	[tilespmem:$0x14020] =	vst v63  }
0x101: {  	s2 =	simm.s32 @!p0 $0x4  }
0x102: {  	_ =	swait.ge @!p0 [sflag:s2], $0x100  }
0x103: {  	[sflag:s2] =	ssyncset.done @!p0 $0x0  }
0x104: {  	[sflag:s2] =	ssyncadd.s32 @!p0 $0xFFFFFF00  }
0x105: {  	v2 =	vld @!p0 [tilespmem:$0x13F20]  }
0x106: {  	v3 =	vld @!p0 [tilespmem:$0x13F30];
	_ =	sdelay $0x1  }
0x107: {  	v4 =	vld @!p0 [tilespmem:$0x13F40];
	_ =	sdelay $0x1  }
0x108: {  	v5 =	vld @!p0 [tilespmem:$0x13F50]  }
0x109: {  	v2 =	vadd.f32 @!p0 v3, v2  }
0x10a: {  	v3 =	vld @!p0 [tilespmem:$0x13F60]  }
0x10b: {  	v2 =	vadd.f32 @!p0 v4, v2  }
0x10c: {  	v4 =	vld @!p0 [tilespmem:$0x13F70]  }
0x10d: {  	v2 =	vadd.f32 @!p0 v5, v2  }
0x10e: {  	v5 =	vld @!p0 [tilespmem:$0x13F80]  }
0x10f: {  	v2 =	vadd.f32 @!p0 v3, v2  }
0x110: {  	v3 =	vld @!p0 [tilespmem:$0x13F90]  }
0x111: {  	v2 =	vadd.f32 @!p0 v4, v2  }
0x112: {  	v4 =	vld @!p0 [tilespmem:$0x13FA0]  }
0x113: {  	v2 =	vadd.f32 @!p0 v5, v2  }
0x114: {  	v5 =	vld @!p0 [tilespmem:$0x13FB0]  }
0x115: {  	v2 =	vadd.f32 @!p0 v3, v2  }
0x116: {  	v3 =	vld @!p0 [tilespmem:$0x13FC0]  }
0x117: {  	v2 =	vadd.f32 @!p0 v4, v2  }
0x118: {  	v4 =	vld @!p0 [tilespmem:$0x13FD0]  }
0x119: {  	v2 =	vadd.f32 @!p0 v5, v2  }
0x11a: {  	v5 =	vld @!p0 [tilespmem:$0x13FE0]  }
0x11b: {  	v2 =	vadd.f32 @!p0 v3, v2  }
0x11c: {  	v3 =	vld @!p0 [tilespmem:$0x13FF0]  }
0x11d: {  	v2 =	vadd.f32 @!p0 v4, v2  }
0x11e: {  	v4 =	vld @!p0 [tilespmem:$0x14000]  }
0x11f: {  	v2 =	vadd.f32 @!p0 v5, v2  }
0x120: {  	v5 =	vld @!p0 [tilespmem:$0x14010]  }
0x121: {  	v2 =	vadd.f32 @!p0 v3, v2;
	_ =	sdelay $0x1  }
0x122: {  	v2 =	vadd.f32 @!p0 v4, v2;
	_ =	sdelay $0x1  }
0x123: {  	s3 =	sadd.s32 $0x1, s3;
	v2 =	vadd.f32 @!p0 v5, v2  }
0x124: {  	p1 =	sne.s32 s3, s11  }
.Ltmp3:
0x125: {  	s18 =	simm.s32 @!p0 $0x13F10;
	s15 =	simm.s32 @!p0 $0x0;
	[tilespmem:$0x13F10] =	vst @!p0 v2;
	(pc) =	sbr.rel @p1 .LBB2_1-.Ltmp3, $4  }
0x126: {  	[hbm4b:s10+s15] =	stream.linear.scatter @!p0 [tilespmem:s18], [sflag:$0x4], $0x10, $0x38;
	[tilespmem:$0x14020] =	vst v63  }
0x127: {  	_ =	swait.ge @!p0 [sflag:s2], $0x10  }
0x128: {  	[sflag:s2] =	ssyncset.done @!p0 $0x0  }
0x129: {  	[sflag:s2] =	ssyncadd.s32 @!p0 $0xFFFFFFF0  }
0x12a: {  	_ =	sfence.sel $0x180000  }
0x12b: {  	[bflag:$0x0] =	sbarrier.arrive $0xFFFF  }
0x12c: {  	_ =	strace $0x90000047  }
0x12d: {  	[bflag:$0x2] =	sbarrier.arrive $0xFFFF  }
0x12e: {  	s0 =	rddreg [dreg:$0x5]  }
0x12f: {  	s0 =	sadd.s32 @!p0 $0x100000, s0  }
0x130: {  	[sflag:s0] =	ssyncadd.tile.s32 @!p0 $0x1;
	_ =	shalt  }
.Lfunc_end2:
_tile_overlayer_lowered:
.L_overlay_start_2:
0x131: {  	(tag) =	ssettag $0x2  }
0x132: {  	s0 =	rddreg [dreg:$0x0];
	s2 =	stileid.u32  }
0x133: {  	s1 =	rddreg [dreg:$0x1];
	p0 =	sne.s32 s2, $0x0  }
0x134: {  	s3 =	rddreg [dreg:$0x2];
	[bflag:$0x3] =	sbarrier.arrive $0xFFFF;
	s2 =	simm.s32 @!p0 $0x1C04  }
0x135: {  	[timem:s3], [sflag:s2] =	dma.local @!p0 [hbm:s0], s1  }
0x136: {  	s0 =	simm.s32 @!p0 $0x4  }
0x137: {  	_ =	swait.ge @!p0 [sflag:s0], s1  }
0x138: {  	s1 =	ssub.s32 @!p0 $0x0, s1;
	[sflag:s0] =	ssyncset.done @!p0 $0x0  }
0x139: {  	[sflag:s0] =	ssyncadd.s32 @!p0 s1  }
0x13a: {  	[bflag:$0x3] =	sbarrier.arrive $0xFFFF  }
0x13b: {  	_ =	shalt  }

</sc_bundles>
